<compile_context>
chip_gen: v7x
topology: tpu7x:2x2x1
jax: 0.10.2.dev20260603
libtpu: 0.0.44.dev20260713+nightly
codegen_flags: <defaults>
</compile_context>

<pallas_src>
import jax
import jax.numpy as jnp
from jax import lax
from jax.experimental import pallas as pl
from jax.experimental.pallas import tpu as pltpu
from jax.experimental.pallas import tpu_sc as plsc

_P = 8192
_B = 2_000_000
_L = 16
_NC = 2
_NS = 16
_NW = _NC * _NS
_CHUNK = 4000
_NCHUNK = _B // _CHUNK
_NBUF = 4
_RPW = _P // _NS
_MAXSLOT = (_NCHUNK + _NW - 1) // _NW


def _exp_f32(x):
    z = x * jnp.float32(1.4426950408889634)
    k = z.astype(jnp.int32)
    kf = k.astype(jnp.float32)
    r = x - kf * jnp.float32(0.693359375)
    r = r - kf * jnp.float32(-2.12194440e-4)
    p = jnp.float32(1.0 / 362880.0)
    p = p * r + jnp.float32(1.0 / 40320.0)
    p = p * r + jnp.float32(1.0 / 5040.0)
    p = p * r + jnp.float32(1.0 / 720.0)
    p = p * r + jnp.float32(1.0 / 120.0)
    p = p * r + jnp.float32(1.0 / 24.0)
    p = p * r + jnp.float32(1.0 / 6.0)
    p = p * r + jnp.float32(0.5)
    p = p * r + jnp.float32(1.0)
    p = p * r + jnp.float32(1.0)
    scale = lax.bitcast_convert_type((k + 127) << 23, jnp.float32)
    return p * scale


def _sc_body(t_hbm, ts_hbm, ll_hbm, bp_hbm, wd_hbm, o0_hbm, o1_hbm, *scr):
    ll_tab, c0_tab, c1_tab, wd_full, sl_bp, sl_c0, sl_c1, sl_pr = scr[:8]
    ts_bufs = scr[8:8 + _NBUF]
    t_bufs = scr[8 + _NBUF:8 + 2 * _NBUF]
    o0_bufs = scr[8 + 2 * _NBUF:8 + 3 * _NBUF]
    o1_bufs = scr[8 + 3 * _NBUF:8 + 4 * _NBUF]
    in_sems = scr[8 + 4 * _NBUF:8 + 5 * _NBUF]
    out_sems = scr[8 + 5 * _NBUF:8 + 6 * _NBUF]
    c0_sh, c1_sh, pr_sh = scr[8 + 6 * _NBUF:8 + 6 * _NBUF + 3]

    cid = lax.axis_index("c")
    sid = lax.axis_index("s")
    wid = sid * _NC + cid

    n_my = (_NCHUNK - 1 - wid) // _NW + 1

    def _base(slot):
        return (wid + slot * _NW) * _CHUNK

    def _fire_in(slot, b):
        pltpu.async_copy(ts_hbm.at[pl.ds(_base(slot), _CHUNK)],
                         ts_bufs[b], in_sems[b])
        pltpu.async_copy(t_hbm.at[pl.ds(_base(slot), _CHUNK)],
                         t_bufs[b], in_sems[b])

    def _drain_in(slot, b):
        pltpu.make_async_copy(ts_hbm.at[pl.ds(_base(slot), _CHUNK)],
                              ts_bufs[b], in_sems[b]).wait()
        pltpu.make_async_copy(t_hbm.at[pl.ds(_base(slot), _CHUNK)],
                              t_bufs[b], in_sems[b]).wait()

    def _fire_out(slot, b):
        pltpu.async_copy(o0_bufs[b], o0_hbm.at[pl.ds(_base(slot), _CHUNK)],
                         out_sems[b])
        pltpu.async_copy(o1_bufs[b], o1_hbm.at[pl.ds(_base(slot), _CHUNK)],
                         out_sems[b])

    def _drain_out(slot, b):
        pltpu.make_async_copy(o0_bufs[b], o0_hbm.at[pl.ds(_base(slot), _CHUNK)],
                              out_sems[b]).wait()
        pltpu.make_async_copy(o1_bufs[b], o1_hbm.at[pl.ds(_base(slot), _CHUNK)],
                              out_sems[b]).wait()

    for b in range(_NBUF):
        @pl.when(b < n_my)
        def _(b=b):
            _fire_in(b, b)

    rbase = sid * _RPW
    pltpu.sync_copy(ll_hbm, ll_tab)
    pltpu.sync_copy(wd_hbm.at[pl.ds(rbase, _RPW)], sl_pr)
    pltpu.sync_copy(bp_hbm.at[pl.ds(rbase, _RPW)], sl_bp)

    def own_step(j, _):
        lam = _exp_f32(ll_tab[pl.ds(rbase + j * _L, _L)])
        sl_c1[pl.ds(j * _L, _L)] = lam
        sl_pr[pl.ds(j * _L, _L)] = lam * sl_pr[pl.ds(j * _L, _L)]
        return 0

    lax.fori_loop(0, _RPW // _L, own_step, 0)

    pltpu.sync_copy(sl_c1, c1_sh.at[pl.ds(rbase, _RPW)])
    pltpu.sync_copy(sl_pr, pr_sh.at[pl.ds(rbase, _RPW)])
    plsc.subcore_barrier()
    pltpu.sync_copy(pr_sh, wd_full)

    def off_step(j, acc):
        return acc + wd_full[pl.ds(j * _L, _L)]

    acc = lax.fori_loop(0, sid * (_RPW // _L), off_step,
                        jnp.zeros((_L,), jnp.float32))
    off = jnp.sum(acc)

    def scan_step(j, carry):
        lam = sl_c1[pl.ds(j * _L, _L)]
        prod = sl_pr[pl.ds(j * _L, _L)]
        incl = plsc.cumsum(prod) + carry
        sl_c0[pl.ds(j * _L, _L)] = (incl - prod
                                    - lam * sl_bp[pl.ds(j * _L, _L)])
        return carry + jnp.sum(prod)

    lax.fori_loop(0, _RPW // _L, scan_step, off)

    pltpu.sync_copy(sl_c0, c0_sh.at[pl.ds(rbase, _RPW)])
    plsc.subcore_barrier()
    pltpu.sync_copy(c0_sh, c0_tab)
    pltpu.sync_copy(c1_sh, c1_tab)

    def ring_body(i, _):
        for b in range(_NBUF):
            slot = _NBUF * i + b

            @pl.when(slot < n_my)
            def _(slot=slot, b=b):
                _drain_in(slot, b)

                @pl.when(slot >= _NBUF)
                def _():
                    _drain_out(slot - _NBUF, b)

                tsb, tb, o0b, o1b = (ts_bufs[b], t_bufs[b],
                                     o0_bufs[b], o1_bufs[b])

                @plsc.parallel_loop(0, _CHUNK, step=_L, unroll=10)
                def vec_body(k):
                    idx = tsb[pl.ds(k, _L)]
                    tv = tb[pl.ds(k, _L)]
                    o0b[pl.ds(k, _L)] = plsc.load_gather(ll_tab, [idx])
                    c0 = plsc.load_gather(c0_tab, [idx])
                    c1 = plsc.load_gather(c1_tab, [idx])
                    o1b[pl.ds(k, _L)] = c0 + c1 * tv

                _fire_out(slot, b)

                @pl.when(slot + _NBUF < n_my)
                def _():
                    _fire_in(slot + _NBUF, b)
        return 0

    lax.fori_loop(0, (_MAXSLOT + _NBUF - 1) // _NBUF, ring_body, 0)

    for b in range(_NBUF):
        last = n_my - 1 - ((n_my - 1 - b) % _NBUF)

        @pl.when(last >= 0)
        def _(last=last, b=b):
            _drain_out(last, b)


@jax.jit
def _sc_call(t1, ts, ll1, bp1, wd1):
    f32 = jnp.float32
    run = pl.kernel(
        _sc_body,
        out_type=(jax.ShapeDtypeStruct((_B,), f32),
                  jax.ShapeDtypeStruct((_B,), f32)),
        mesh=plsc.VectorSubcoreMesh(core_axis_name="c", subcore_axis_name="s"),
        compiler_params=pltpu.CompilerParams(needs_layout_passes=False),
        scratch_types=[
            pltpu.VMEM((_P,), f32),
            pltpu.VMEM((_P,), f32),
            pltpu.VMEM((_P,), f32),
            pltpu.VMEM((_P,), f32),
            pltpu.VMEM((_RPW,), f32),
            pltpu.VMEM((_RPW,), f32),
            pltpu.VMEM((_RPW,), f32),
            pltpu.VMEM((_RPW,), f32),
        ]
        + [pltpu.VMEM((_CHUNK,), jnp.int32) for _ in range(_NBUF)]
        + [pltpu.VMEM((_CHUNK,), f32) for _ in range(_NBUF)]
        + [pltpu.VMEM((_CHUNK,), f32) for _ in range(_NBUF)]
        + [pltpu.VMEM((_CHUNK,), f32) for _ in range(_NBUF)]
        + [pltpu.SemaphoreType.DMA for _ in range(2 * _NBUF)]
        + [
            pltpu.VMEM_SHARED((_P,), f32),
            pltpu.VMEM_SHARED((_P,), f32),
            pltpu.VMEM_SHARED((_P,), f32),
        ],
    )
    return run(t1, ts, ll1, bp1, wd1)


def kernel(t, t_section, log_lambda, breakpoints, widths):
    o0, o1 = _sc_call(t[:, 0], t_section, log_lambda[:, 0],
                      breakpoints[:, 0], widths[:, 0])
    return (o0[:, None], o1[:, None])

# --- scband reference (transcript-rebuilt; emitter-appended) ---
"""Pipeline reference for scband-piece-wise-hazard-62045097558344 (READ-ONLY COPY).

The authoritative reference and input builder live on the scoring server;
editing this copy changes nothing except your own understanding.
"""

import jax, jax.numpy as jnp
import numpy as np

N_PIECES = 8192  # len(breakpoints) - 1
BATCH = 2000000


def setup_inputs(seed: int = 0) -> dict:
    key = jax.random.key(seed)
    k1, k2, k3 = jax.random.split(key, 3)
    # event times, already scaled to [0, 1) by the (identity) MaxAbsScaler
    t = jax.random.uniform(k1, (BATCH, 1), dtype=jnp.float32)
    # piece index for each time; original code derives this via searchsorted,
    # valid values are 0 .. N_PIECES-1
    t_section = jax.random.randint(k2, (BATCH,), 0, N_PIECES).astype(jnp.int32)
    # breakpoints: linspace(0, 1, N_PIECES+1); t_scaler = MaxAbsScaler fit on it
    # (max == 1, so the transform is the identity)
    bp_full = jnp.linspace(0.0, 1.0, N_PIECES + 1, dtype=jnp.float32)[:, None]
    breakpoints = bp_full[:-1]                      # buffer: [N_PIECES, 1]
    widths = jnp.diff(bp_full, axis=0)              # buffer: [N_PIECES, 1]
    # learned parameter logλ ~ randn, matching nn.Parameter(torch.randn(...))
    log_lambda = jax.random.normal(k3, (N_PIECES, 1), dtype=jnp.float32)
    return {
        "t": t,
        "t_section": t_section,
        "log_lambda": log_lambda,
        "breakpoints": breakpoints,
        "widths": widths,
    }


def reference(t, t_section, log_lambda, breakpoints, widths):
    # cumulative_hazard
    lam = jnp.exp(log_lambda)                        # [P, 1]
    cum_hazard = lam * widths                        # [P, 1]
    cum_hazard = jnp.cumsum(cum_hazard, axis=0)      # [P, 1]
    # prepend_zero (ConstantPad2d((0,0,1,0), 0))
    cum_hazard = jnp.concatenate(
        [jnp.zeros((1, 1), dtype=cum_hazard.dtype), cum_hazard], axis=0
    )                                                # [P+1, 1]
    cum_hazard_sec = cum_hazard[t_section]           # gather -> [B, 1]
    delta_t = t - breakpoints[t_section]             # gather -> [B, 1]
    ch = cum_hazard_sec + lam[t_section] * delta_t   # gather -> [B, 1]
    # forward returns (logλ[t_section], cumulative_hazard(t, t_section))
    return (log_lambda[t_section], ch)

if __name__ == "__main__":
    import jax
    _d = setup_inputs()
    print(jax.jit(kernel)(*tuple(_d.values())))

</pallas_src>

<mosaic_0001>
#map = affine_map<(d0, d1) -> (0)>
module attributes {stable_mosaic.version = 14 : i64} {
  func.func @_sc_body(%arg0: i32, %arg1: i32, %arg2: memref<2000000xf32, #tpu.memory_space<hbm>>, %arg3: memref<2000000xi32, #tpu.memory_space<hbm>>, %arg4: memref<8192xf32, #tpu.memory_space<hbm>>, %arg5: memref<8192xf32, #tpu.memory_space<hbm>>, %arg6: memref<8192xf32, #tpu.memory_space<hbm>>, %arg7: memref<2000000xf32, #tpu.memory_space<hbm>>, %arg8: memref<2000000xf32, #tpu.memory_space<hbm>>, %arg9: memref<8192xf32, #tpu.memory_space<vmem>>, %arg10: memref<8192xf32, #tpu.memory_space<vmem>>, %arg11: memref<8192xf32, #tpu.memory_space<vmem>>, %arg12: memref<8192xf32, #tpu.memory_space<vmem>>, %arg13: memref<512xf32, #tpu.memory_space<vmem>>, %arg14: memref<512xf32, #tpu.memory_space<vmem>>, %arg15: memref<512xf32, #tpu.memory_space<vmem>>, %arg16: memref<512xf32, #tpu.memory_space<vmem>>, %arg17: memref<4000xi32, #tpu.memory_space<vmem>>, %arg18: memref<4000xi32, #tpu.memory_space<vmem>>, %arg19: memref<4000xi32, #tpu.memory_space<vmem>>, %arg20: memref<4000xi32, #tpu.memory_space<vmem>>, %arg21: memref<4000xf32, #tpu.memory_space<vmem>>, %arg22: memref<4000xf32, #tpu.memory_space<vmem>>, %arg23: memref<4000xf32, #tpu.memory_space<vmem>>, %arg24: memref<4000xf32, #tpu.memory_space<vmem>>, %arg25: memref<4000xf32, #tpu.memory_space<vmem>>, %arg26: memref<4000xf32, #tpu.memory_space<vmem>>, %arg27: memref<4000xf32, #tpu.memory_space<vmem>>, %arg28: memref<4000xf32, #tpu.memory_space<vmem>>, %arg29: memref<4000xf32, #tpu.memory_space<vmem>>, %arg30: memref<4000xf32, #tpu.memory_space<vmem>>, %arg31: memref<4000xf32, #tpu.memory_space<vmem>>, %arg32: memref<4000xf32, #tpu.memory_space<vmem>>, %arg33: memref<!tpu.dma_semaphore, #tpu.memory_space<semaphore_mem>>, %arg34: memref<!tpu.dma_semaphore, #tpu.memory_space<semaphore_mem>>, %arg35: memref<!tpu.dma_semaphore, #tpu.memory_space<semaphore_mem>>, %arg36: memref<!tpu.dma_semaphore, #tpu.memory_space<semaphore_mem>>, %arg37: memref<!tpu.dma_semaphore, #tpu.memory_space<semaphore_mem>>, %arg38: memref<!tpu.dma_semaphore, #tpu.memory_space<semaphore_mem>>, %arg39: memref<!tpu.dma_semaphore, #tpu.memory_space<semaphore_mem>>, %arg40: memref<!tpu.dma_semaphore, #tpu.memory_space<semaphore_mem>>, %arg41: memref<8192xf32, #tpu.memory_space<vmem_shared>>, %arg42: memref<8192xf32, #tpu.memory_space<vmem_shared>>, %arg43: memref<8192xf32, #tpu.memory_space<vmem_shared>>) attributes {dimension_semantics = [#tpu.dimension_semantics<core_parallel>, #tpu.dimension_semantics<subcore_parallel>], iteration_bounds = array<i64: 2, 16>, scalar_prefetch = 0 : i64, scratch_operands = 35 : i64, tpu.core_type = #tpu.core_type<sc_vector_subcore>, window_params = [{transform_indices = #map}, {transform_indices = #map}, {transform_indices = #map}, {transform_indices = #map}, {transform_indices = #map}, {transform_indices = #map}, {transform_indices = #map}]} {
    %mul3A = arith.constant 2 : i32
    %mul3A_0 = arith.muli %arg1, %mul3A : i32
    %add3A = arith.addi %mul3A_0, %arg0 : i32
    %sub3A = arith.constant 499 : i32
    %sub3A_1 = arith.subi %sub3A, %add3A : i32
    %jit3A = arith.constant 32 : i32
    %div3A = arith.divsi %sub3A_1, %jit3A : i32
    %sign3A = arith.constant 0 : i32
    %sign3A_2 = arith.cmpi sgt, %sub3A_1, %sign3A : i32
    %sign3A_3 = arith.extui %sign3A_2 : i1 to i32
    %sign3A_4 = arith.constant 0 : i32
    %sign3A_5 = arith.cmpi slt, %sub3A_1, %sign3A_4 : i32
    %sign3A_6 = arith.extui %sign3A_5 : i1 to i32
    %sign3A_7 = arith.subi %sign3A_3, %sign3A_6 : i32
    %sign3A_8 = arith.constant 0 : i32
    %sign3A_9 = arith.cmpi sgt, %jit3A, %sign3A_8 : i32
    %sign3A_10 = arith.extui %sign3A_9 : i1 to i32
    %sign3A_11 = arith.constant 0 : i32
    %sign3A_12 = arith.cmpi slt, %jit3A, %sign3A_11 : i32
    %sign3A_13 = arith.extui %sign3A_12 : i1 to i32
    %sign3A_14 = arith.subi %sign3A_10, %sign3A_13 : i32
    %ne3A = arith.cmpi ne, %sign3A_7, %sign3A_14 : i32
    %rem3A = arith.remsi %sub3A_1, %jit3A : i32
    %ne3A_15 = arith.constant 0 : i32
    %ne3A_16 = arith.cmpi ne, %rem3A, %ne3A_15 : i32
    %and3A = arith.andi %ne3A, %ne3A_16 : i1
    %sub3A_17 = arith.constant 1 : i32
    %sub3A_18 = arith.subi %div3A, %sub3A_17 : i32
    %select_n3A = arith.select %and3A, %sub3A_18, %div3A : i32
    %add3A_19 = arith.constant 1 : i32
    %add3A_20 = arith.addi %select_n3A, %add3A_19 : i32
    %gt3A = arith.constant 0 : i32
    %gt3A_21 = arith.cmpi sgt, %add3A_20, %gt3A : i32
    %convert_element_type3A = arith.extui %gt3A_21 : i1 to i32
    %cond3A = arith.constant 0 : i32
    %cond3A_22 = arith.cmpi ne, %convert_element_type3A, %cond3A : i32
    scf.if %cond3A_22 {
      %add3A_185 = arith.constant 0 : i32
      %add3A_186 = arith.addi %add3A, %add3A_185 : i32
      %mul3A_187 = arith.constant 4000 : i32
      %mul3A_188 = arith.muli %add3A_186, %mul3A_187 : i32
      %dma_start3A = tpu.memref_slice %arg3[%mul3A_188] : memref<2000000xi32, #tpu.memory_space<hbm>> -> memref<4000xi32, #tpu.memory_space<hbm>>
      %dma_start3A_189 = tpu.memref_slice %arg3[%mul3A_188] : memref<2000000xi32, #tpu.memory_space<hbm>> -> memref<4000xi32, #tpu.memory_space<hbm>>
      tpu.enqueue_dma source(%dma_start3A_189 : memref<4000xi32, #tpu.memory_space<hbm>>) target(%arg17 : memref<4000xi32, #tpu.memory_space<vmem>>) target_semaphore(%arg33 : memref<!tpu.dma_semaphore, #tpu.memory_space<semaphore_mem>>)
      %add3A_190 = arith.constant 0 : i32
      %add3A_191 = arith.addi %add3A, %add3A_190 : i32
      %mul3A_192 = arith.constant 4000 : i32
      %mul3A_193 = arith.muli %add3A_191, %mul3A_192 : i32
      %dma_start3A_194 = tpu.memref_slice %arg2[%mul3A_193] : memref<2000000xf32, #tpu.memory_space<hbm>> -> memref<4000xf32, #tpu.memory_space<hbm>>
      %dma_start3A_195 = tpu.memref_slice %arg2[%mul3A_193] : memref<2000000xf32, #tpu.memory_space<hbm>> -> memref<4000xf32, #tpu.memory_space<hbm>>
      tpu.enqueue_dma source(%dma_start3A_195 : memref<4000xf32, #tpu.memory_space<hbm>>) target(%arg21 : memref<4000xf32, #tpu.memory_space<vmem>>) target_semaphore(%arg33 : memref<!tpu.dma_semaphore, #tpu.memory_space<semaphore_mem>>)
    } else {
    }
    %gt3A_23 = arith.constant 1 : i32
    %gt3A_24 = arith.cmpi sgt, %add3A_20, %gt3A_23 : i32
    %convert_element_type3A_25 = arith.extui %gt3A_24 : i1 to i32
    %cond3A_26 = arith.constant 0 : i32
    %cond3A_27 = arith.cmpi ne, %convert_element_type3A_25, %cond3A_26 : i32
    scf.if %cond3A_27 {
      %add3A_185 = arith.constant 32 : i32
      %add3A_186 = arith.addi %add3A, %add3A_185 : i32
      %mul3A_187 = arith.constant 4000 : i32
      %mul3A_188 = arith.muli %add3A_186, %mul3A_187 : i32
      %dma_start3A = tpu.memref_slice %arg3[%mul3A_188] : memref<2000000xi32, #tpu.memory_space<hbm>> -> memref<4000xi32, #tpu.memory_space<hbm>>
      %dma_start3A_189 = tpu.memref_slice %arg3[%mul3A_188] : memref<2000000xi32, #tpu.memory_space<hbm>> -> memref<4000xi32, #tpu.memory_space<hbm>>
      tpu.enqueue_dma source(%dma_start3A_189 : memref<4000xi32, #tpu.memory_space<hbm>>) target(%arg18 : memref<4000xi32, #tpu.memory_space<vmem>>) target_semaphore(%arg34 : memref<!tpu.dma_semaphore, #tpu.memory_space<semaphore_mem>>)
      %add3A_190 = arith.constant 32 : i32
      %add3A_191 = arith.addi %add3A, %add3A_190 : i32
      %mul3A_192 = arith.constant 4000 : i32
      %mul3A_193 = arith.muli %add3A_191, %mul3A_192 : i32
      %dma_start3A_194 = tpu.memref_slice %arg2[%mul3A_193] : memref<2000000xf32, #tpu.memory_space<hbm>> -> memref<4000xf32, #tpu.memory_space<hbm>>
      %dma_start3A_195 = tpu.memref_slice %arg2[%mul3A_193] : memref<2000000xf32, #tpu.memory_space<hbm>> -> memref<4000xf32, #tpu.memory_space<hbm>>
      tpu.enqueue_dma source(%dma_start3A_195 : memref<4000xf32, #tpu.memory_space<hbm>>) target(%arg22 : memref<4000xf32, #tpu.memory_space<vmem>>) target_semaphore(%arg34 : memref<!tpu.dma_semaphore, #tpu.memory_space<semaphore_mem>>)
    } else {
    }
    %gt3A_28 = arith.constant 2 : i32
    %gt3A_29 = arith.cmpi sgt, %add3A_20, %gt3A_28 : i32
    %convert_element_type3A_30 = arith.extui %gt3A_29 : i1 to i32
    %cond3A_31 = arith.constant 0 : i32
    %cond3A_32 = arith.cmpi ne, %convert_element_type3A_30, %cond3A_31 : i32
    scf.if %cond3A_32 {
      %add3A_185 = arith.constant 64 : i32
      %add3A_186 = arith.addi %add3A, %add3A_185 : i32
      %mul3A_187 = arith.constant 4000 : i32
      %mul3A_188 = arith.muli %add3A_186, %mul3A_187 : i32
      %dma_start3A = tpu.memref_slice %arg3[%mul3A_188] : memref<2000000xi32, #tpu.memory_space<hbm>> -> memref<4000xi32, #tpu.memory_space<hbm>>
      %dma_start3A_189 = tpu.memref_slice %arg3[%mul3A_188] : memref<2000000xi32, #tpu.memory_space<hbm>> -> memref<4000xi32, #tpu.memory_space<hbm>>
      tpu.enqueue_dma source(%dma_start3A_189 : memref<4000xi32, #tpu.memory_space<hbm>>) target(%arg19 : memref<4000xi32, #tpu.memory_space<vmem>>) target_semaphore(%arg35 : memref<!tpu.dma_semaphore, #tpu.memory_space<semaphore_mem>>)
      %add3A_190 = arith.constant 64 : i32
      %add3A_191 = arith.addi %add3A, %add3A_190 : i32
      %mul3A_192 = arith.constant 4000 : i32
      %mul3A_193 = arith.muli %add3A_191, %mul3A_192 : i32
      %dma_start3A_194 = tpu.memref_slice %arg2[%mul3A_193] : memref<2000000xf32, #tpu.memory_space<hbm>> -> memref<4000xf32, #tpu.memory_space<hbm>>
      %dma_start3A_195 = tpu.memref_slice %arg2[%mul3A_193] : memref<2000000xf32, #tpu.memory_space<hbm>> -> memref<4000xf32, #tpu.memory_space<hbm>>
      tpu.enqueue_dma source(%dma_start3A_195 : memref<4000xf32, #tpu.memory_space<hbm>>) target(%arg23 : memref<4000xf32, #tpu.memory_space<vmem>>) target_semaphore(%arg35 : memref<!tpu.dma_semaphore, #tpu.memory_space<semaphore_mem>>)
    } else {
    }
    %gt3A_33 = arith.constant 3 : i32
    %gt3A_34 = arith.cmpi sgt, %add3A_20, %gt3A_33 : i32
    %convert_element_type3A_35 = arith.extui %gt3A_34 : i1 to i32
    %cond3A_36 = arith.constant 0 : i32
    %cond3A_37 = arith.cmpi ne, %convert_element_type3A_35, %cond3A_36 : i32
    scf.if %cond3A_37 {
      %add3A_185 = arith.constant 96 : i32
      %add3A_186 = arith.addi %add3A, %add3A_185 : i32
      %mul3A_187 = arith.constant 4000 : i32
      %mul3A_188 = arith.muli %add3A_186, %mul3A_187 : i32
      %dma_start3A = tpu.memref_slice %arg3[%mul3A_188] : memref<2000000xi32, #tpu.memory_space<hbm>> -> memref<4000xi32, #tpu.memory_space<hbm>>
      %dma_start3A_189 = tpu.memref_slice %arg3[%mul3A_188] : memref<2000000xi32, #tpu.memory_space<hbm>> -> memref<4000xi32, #tpu.memory_space<hbm>>
      tpu.enqueue_dma source(%dma_start3A_189 : memref<4000xi32, #tpu.memory_space<hbm>>) target(%arg20 : memref<4000xi32, #tpu.memory_space<vmem>>) target_semaphore(%arg36 : memref<!tpu.dma_semaphore, #tpu.memory_space<semaphore_mem>>)
      %add3A_190 = arith.constant 96 : i32
      %add3A_191 = arith.addi %add3A, %add3A_190 : i32
      %mul3A_192 = arith.constant 4000 : i32
      %mul3A_193 = arith.muli %add3A_191, %mul3A_192 : i32
      %dma_start3A_194 = tpu.memref_slice %arg2[%mul3A_193] : memref<2000000xf32, #tpu.memory_space<hbm>> -> memref<4000xf32, #tpu.memory_space<hbm>>
      %dma_start3A_195 = tpu.memref_slice %arg2[%mul3A_193] : memref<2000000xf32, #tpu.memory_space<hbm>> -> memref<4000xf32, #tpu.memory_space<hbm>>
      tpu.enqueue_dma source(%dma_start3A_195 : memref<4000xf32, #tpu.memory_space<hbm>>) target(%arg24 : memref<4000xf32, #tpu.memory_space<vmem>>) target_semaphore(%arg36 : memref<!tpu.dma_semaphore, #tpu.memory_space<semaphore_mem>>)
    } else {
    }
    %mul3A_38 = arith.constant 512 : i32
    %mul3A_39 = arith.muli %arg1, %mul3A_38 : i32
    "tpu.region"() ({
      %run_scoped3A = tpu.sem_alloc : memref<!tpu.dma_semaphore, #tpu.memory_space<semaphore_mem>>
      tpu.enqueue_dma source(%arg4 : memref<8192xf32, #tpu.memory_space<hbm>>) target(%arg9 : memref<8192xf32, #tpu.memory_space<vmem>>) target_semaphore(%run_scoped3A : memref<!tpu.dma_semaphore, #tpu.memory_space<semaphore_mem>>)
      tpu.wait_dma2 semaphore(%run_scoped3A : memref<!tpu.dma_semaphore, #tpu.memory_space<semaphore_mem>>) src(%arg4 : memref<8192xf32, #tpu.memory_space<hbm>>) dst(%arg9 : memref<8192xf32, #tpu.memory_space<vmem>>)
      tpu.yield
    }) : () -> ()
    "tpu.region"() ({
      %run_scoped3A = tpu.sem_alloc : memref<!tpu.dma_semaphore, #tpu.memory_space<semaphore_mem>>
      %dma_start3A = tpu.memref_slice %arg6[%mul3A_39] : memref<8192xf32, #tpu.memory_space<hbm>> -> memref<512xf32, #tpu.memory_space<hbm>>
      %dma_start3A_185 = tpu.memref_slice %arg6[%mul3A_39] : memref<8192xf32, #tpu.memory_space<hbm>> -> memref<512xf32, #tpu.memory_space<hbm>>
      tpu.enqueue_dma source(%dma_start3A_185 : memref<512xf32, #tpu.memory_space<hbm>>) target(%arg16 : memref<512xf32, #tpu.memory_space<vmem>>) target_semaphore(%run_scoped3A : memref<!tpu.dma_semaphore, #tpu.memory_space<semaphore_mem>>)
      %dma_wait3A = tpu.memref_slice %arg6[%mul3A_39] : memref<8192xf32, #tpu.memory_space<hbm>> -> memref<512xf32, #tpu.memory_space<hbm>>
      %dma_wait3A_186 = tpu.memref_slice %arg6[%mul3A_39] : memref<8192xf32, #tpu.memory_space<hbm>> -> memref<512xf32, #tpu.memory_space<hbm>>
      tpu.wait_dma2 semaphore(%run_scoped3A : memref<!tpu.dma_semaphore, #tpu.memory_space<semaphore_mem>>) src(%dma_wait3A_186 : memref<512xf32, #tpu.memory_space<hbm>>) dst(%arg16 : memref<512xf32, #tpu.memory_space<vmem>>)
      tpu.yield
    }) : () -> ()
    "tpu.region"() ({
      %run_scoped3A = tpu.sem_alloc : memref<!tpu.dma_semaphore, #tpu.memory_space<semaphore_mem>>
      %dma_start3A = tpu.memref_slice %arg5[%mul3A_39] : memref<8192xf32, #tpu.memory_space<hbm>> -> memref<512xf32, #tpu.memory_space<hbm>>
      %dma_start3A_185 = tpu.memref_slice %arg5[%mul3A_39] : memref<8192xf32, #tpu.memory_space<hbm>> -> memref<512xf32, #tpu.memory_space<hbm>>
      tpu.enqueue_dma source(%dma_start3A_185 : memref<512xf32, #tpu.memory_space<hbm>>) target(%arg13 : memref<512xf32, #tpu.memory_space<vmem>>) target_semaphore(%run_scoped3A : memref<!tpu.dma_semaphore, #tpu.memory_space<semaphore_mem>>)
      %dma_wait3A = tpu.memref_slice %arg5[%mul3A_39] : memref<8192xf32, #tpu.memory_space<hbm>> -> memref<512xf32, #tpu.memory_space<hbm>>
      %dma_wait3A_186 = tpu.memref_slice %arg5[%mul3A_39] : memref<8192xf32, #tpu.memory_space<hbm>> -> memref<512xf32, #tpu.memory_space<hbm>>
      tpu.wait_dma2 semaphore(%run_scoped3A : memref<!tpu.dma_semaphore, #tpu.memory_space<semaphore_mem>>) src(%dma_wait3A_186 : memref<512xf32, #tpu.memory_space<hbm>>) dst(%arg13 : memref<512xf32, #tpu.memory_space<vmem>>)
      tpu.yield
    }) : () -> ()
    %scan3A = arith.constant 0 : i32
    %scan3A_40 = arith.constant 0 : i32
    %scan3A_41 = arith.constant 32 : i32
    %scan3A_42 = arith.addi %scan3A_40, %scan3A_41 : i32
    %scan3A_43 = arith.constant 1 : i32
    %scan3A_44 = scf.for %scan3A_185 = %scan3A_40 to %scan3A_42 step %scan3A_43 iter_args(%scan3A_186 = %scan3A) -> (i32)  : i32 {
      %mul3A_187 = arith.constant 16 : i32
      %mul3A_188 = arith.muli %scan3A_185, %mul3A_187 : i32
      %add3A_189 = arith.addi %mul3A_39, %mul3A_188 : i32
      %get3A = arith.index_cast %add3A_189 : i32 to index
      %get3A_190 = tpu.vector_load %arg9[%get3A] {strides = array<i32>} : memref<8192xf32, #tpu.memory_space<vmem>>, vector<16xf32>,
      %mul3A_191 = arith.constant 1.44269502 : f32
      %mul3A_192 = vector.broadcast %mul3A_191 : f32 to vector<16xf32>
      %mul3A_193 = arith.mulf %get3A_190, %mul3A_192 : vector<16xf32>
      %convert_element_type3A_194 = arith.fptosi %mul3A_193 : vector<16xf32> to vector<16xi32>
      %convert_element_type3A_195 = arith.sitofp %convert_element_type3A_194 : vector<16xi32> to vector<16xf32>
      %mul3A_196 = arith.constant 0.693359375 : f32
      %mul3A_197 = vector.broadcast %mul3A_196 : f32 to vector<16xf32>
      %mul3A_198 = arith.mulf %convert_element_type3A_195, %mul3A_197 : vector<16xf32>
      %sub3A_199 = arith.subf %get3A_190, %mul3A_198 : vector<16xf32>
      %mul3A_200 = arith.constant -2.12194442E-4 : f32
      %mul3A_201 = vector.broadcast %mul3A_200 : f32 to vector<16xf32>
      %mul3A_202 = arith.mulf %convert_element_type3A_195, %mul3A_201 : vector<16xf32>
      %sub3A_203 = arith.subf %sub3A_199, %mul3A_202 : vector<16xf32>
      %mul3A_204 = arith.constant 2.75573188E-6 : f32
      %mul3A_205 = vector.broadcast %mul3A_204 : f32 to vector<16xf32>
      %mul3A_206 = arith.mulf %mul3A_205, %sub3A_203 : vector<16xf32>
      %add3A_207 = arith.constant 2.48015876E-5 : f32
      %add3A_208 = vector.broadcast %add3A_207 : f32 to vector<16xf32>
      %add3A_209 = arith.addf %mul3A_206, %add3A_208 : vector<16xf32>
      %mul3A_210 = arith.mulf %add3A_209, %sub3A_203 : vector<16xf32>
      %add3A_211 = arith.constant 1.98412701E-4 : f32
      %add3A_212 = vector.broadcast %add3A_211 : f32 to vector<16xf32>
      %add3A_213 = arith.addf %mul3A_210, %add3A_212 : vector<16xf32>
      %mul3A_214 = arith.mulf %add3A_213, %sub3A_203 : vector<16xf32>
      %add3A_215 = arith.constant 0.00138888892 : f32
      %add3A_216 = vector.broadcast %add3A_215 : f32 to vector<16xf32>
      %add3A_217 = arith.addf %mul3A_214, %add3A_216 : vector<16xf32>
      %mul3A_218 = arith.mulf %add3A_217, %sub3A_203 : vector<16xf32>
      %add3A_219 = arith.constant 0.00833333377 : f32
      %add3A_220 = vector.broadcast %add3A_219 : f32 to vector<16xf32>
      %add3A_221 = arith.addf %mul3A_218, %add3A_220 : vector<16xf32>
      %mul3A_222 = arith.mulf %add3A_221, %sub3A_203 : vector<16xf32>
      %add3A_223 = arith.constant 0.0416666679 : f32
      %add3A_224 = vector.broadcast %add3A_223 : f32 to vector<16xf32>
      %add3A_225 = arith.addf %mul3A_222, %add3A_224 : vector<16xf32>
      %mul3A_226 = arith.mulf %add3A_225, %sub3A_203 : vector<16xf32>
      %add3A_227 = arith.constant 0.166666672 : f32
      %add3A_228 = vector.broadcast %add3A_227 : f32 to vector<16xf32>
      %add3A_229 = arith.addf %mul3A_226, %add3A_228 : vector<16xf32>
      %mul3A_230 = arith.mulf %add3A_229, %sub3A_203 : vector<16xf32>
      %add3A_231 = arith.constant 5.000000e-01 : f32
      %add3A_232 = vector.broadcast %add3A_231 : f32 to vector<16xf32>
      %add3A_233 = arith.addf %mul3A_230, %add3A_232 : vector<16xf32>
      %mul3A_234 = arith.mulf %add3A_233, %sub3A_203 : vector<16xf32>
      %add3A_235 = arith.constant 1.000000e+00 : f32
      %add3A_236 = vector.broadcast %add3A_235 : f32 to vector<16xf32>
      %add3A_237 = arith.addf %mul3A_234, %add3A_236 : vector<16xf32>
      %mul3A_238 = arith.mulf %add3A_237, %sub3A_203 : vector<16xf32>
      %add3A_239 = arith.constant 1.000000e+00 : f32
      %add3A_240 = vector.broadcast %add3A_239 : f32 to vector<16xf32>
      %add3A_241 = arith.addf %mul3A_238, %add3A_240 : vector<16xf32>
      %add3A_242 = arith.constant 127 : i32
      %add3A_243 = vector.broadcast %add3A_242 : i32 to vector<16xi32>
      %add3A_244 = arith.addi %convert_element_type3A_194, %add3A_243 : vector<16xi32>
      %shift_left3A = arith.constant 23 : i32
      %shift_left3A_245 = vector.broadcast %shift_left3A : i32 to vector<16xi32>
      %shift_left3A_246 = arith.shli %add3A_244, %shift_left3A_245 : vector<16xi32>
      %bitcast_convert_type3A = tpu.bitcast %shift_left3A_246 : vector<16xi32> -> vector<16xf32>
      %mul3A_247 = arith.mulf %add3A_241, %bitcast_convert_type3A : vector<16xf32>
      %mul3A_248 = arith.constant 16 : i32
      %mul3A_249 = arith.muli %scan3A_185, %mul3A_248 : i32
      %swap3A = arith.index_cast %mul3A_249 : i32 to index
      %swap3A_250 = tpu.vector_load %arg15[%swap3A] {strides = array<i32>} : memref<512xf32, #tpu.memory_space<vmem>>, vector<16xf32>,
      tpu.vector_store %arg15[%swap3A], %mul3A_247 {strides = array<i32>} : memref<512xf32, #tpu.memory_space<vmem>>, vector<16xf32>,
      %mul3A_251 = arith.constant 16 : i32
      %mul3A_252 = arith.muli %scan3A_185, %mul3A_251 : i32
      %get3A_253 = arith.index_cast %mul3A_252 : i32 to index
      %get3A_254 = tpu.vector_load %arg16[%get3A_253] {strides = array<i32>} : memref<512xf32, #tpu.memory_space<vmem>>, vector<16xf32>,
      %mul3A_255 = arith.mulf %mul3A_247, %get3A_254 : vector<16xf32>
      %mul3A_256 = arith.constant 16 : i32
      %mul3A_257 = arith.muli %scan3A_185, %mul3A_256 : i32
      %swap3A_258 = arith.index_cast %mul3A_257 : i32 to index
      %swap3A_259 = tpu.vector_load %arg16[%swap3A_258] {strides = array<i32>} : memref<512xf32, #tpu.memory_space<vmem>>, vector<16xf32>,
      tpu.vector_store %arg16[%swap3A_258], %mul3A_255 {strides = array<i32>} : memref<512xf32, #tpu.memory_space<vmem>>, vector<16xf32>,
      %scan3A_260 = arith.constant 0 : i32
      scf.yield %scan3A_260 : i32
    }
    %scan3A_45 = arith.constant 32 : i32
    "tpu.region"() ({
      %run_scoped3A = tpu.sem_alloc : memref<!tpu.dma_semaphore, #tpu.memory_space<semaphore_mem>>
      %dma_start3A = tpu.memref_slice %arg42[%mul3A_39] : memref<8192xf32, #tpu.memory_space<vmem_shared>> -> memref<512xf32, #tpu.memory_space<vmem_shared>>
      %dma_start3A_185 = tpu.memref_slice %arg42[%mul3A_39] : memref<8192xf32, #tpu.memory_space<vmem_shared>> -> memref<512xf32, #tpu.memory_space<vmem_shared>>
      tpu.enqueue_dma source(%arg15 : memref<512xf32, #tpu.memory_space<vmem>>) target(%dma_start3A_185 : memref<512xf32, #tpu.memory_space<vmem_shared>>) target_semaphore(%run_scoped3A : memref<!tpu.dma_semaphore, #tpu.memory_space<semaphore_mem>>)
      %dma_wait3A = tpu.memref_slice %arg42[%mul3A_39] : memref<8192xf32, #tpu.memory_space<vmem_shared>> -> memref<512xf32, #tpu.memory_space<vmem_shared>>
      %dma_wait3A_186 = tpu.memref_slice %arg42[%mul3A_39] : memref<8192xf32, #tpu.memory_space<vmem_shared>> -> memref<512xf32, #tpu.memory_space<vmem_shared>>
      tpu.wait_dma2 semaphore(%run_scoped3A : memref<!tpu.dma_semaphore, #tpu.memory_space<semaphore_mem>>) src(%arg15 : memref<512xf32, #tpu.memory_space<vmem>>) dst(%dma_wait3A_186 : memref<512xf32, #tpu.memory_space<vmem_shared>>)
      tpu.yield
    }) : () -> ()
    "tpu.region"() ({
      %run_scoped3A = tpu.sem_alloc : memref<!tpu.dma_semaphore, #tpu.memory_space<semaphore_mem>>
      %dma_start3A = tpu.memref_slice %arg43[%mul3A_39] : memref<8192xf32, #tpu.memory_space<vmem_shared>> -> memref<512xf32, #tpu.memory_space<vmem_shared>>
      %dma_start3A_185 = tpu.memref_slice %arg43[%mul3A_39] : memref<8192xf32, #tpu.memory_space<vmem_shared>> -> memref<512xf32, #tpu.memory_space<vmem_shared>>
      tpu.enqueue_dma source(%arg16 : memref<512xf32, #tpu.memory_space<vmem>>) target(%dma_start3A_185 : memref<512xf32, #tpu.memory_space<vmem_shared>>) target_semaphore(%run_scoped3A : memref<!tpu.dma_semaphore, #tpu.memory_space<semaphore_mem>>)
      %dma_wait3A = tpu.memref_slice %arg43[%mul3A_39] : memref<8192xf32, #tpu.memory_space<vmem_shared>> -> memref<512xf32, #tpu.memory_space<vmem_shared>>
      %dma_wait3A_186 = tpu.memref_slice %arg43[%mul3A_39] : memref<8192xf32, #tpu.memory_space<vmem_shared>> -> memref<512xf32, #tpu.memory_space<vmem_shared>>
      tpu.wait_dma2 semaphore(%run_scoped3A : memref<!tpu.dma_semaphore, #tpu.memory_space<semaphore_mem>>) src(%arg16 : memref<512xf32, #tpu.memory_space<vmem>>) dst(%dma_wait3A_186 : memref<512xf32, #tpu.memory_space<vmem_shared>>)
      tpu.yield
    }) : () -> ()
    %barrier3A = arith.constant 0 : index
    tpu.barrier barrier_id(%barrier3A)
    "tpu.region"() ({
      %run_scoped3A = tpu.sem_alloc : memref<!tpu.dma_semaphore, #tpu.memory_space<semaphore_mem>>
      tpu.enqueue_dma source(%arg43 : memref<8192xf32, #tpu.memory_space<vmem_shared>>) target(%arg12 : memref<8192xf32, #tpu.memory_space<vmem>>) target_semaphore(%run_scoped3A : memref<!tpu.dma_semaphore, #tpu.memory_space<semaphore_mem>>)
      tpu.wait_dma2 semaphore(%run_scoped3A : memref<!tpu.dma_semaphore, #tpu.memory_space<semaphore_mem>>) src(%arg43 : memref<8192xf32, #tpu.memory_space<vmem_shared>>) dst(%arg12 : memref<8192xf32, #tpu.memory_space<vmem>>)
      tpu.yield
    }) : () -> ()
    %mul3A_46 = arith.constant 32 : i32
    %mul3A_47 = arith.muli %arg1, %mul3A_46 : i32
    %broadcast_in_dim3A = arith.constant 0.000000e+00 : f32
    %broadcast_in_dim3A_48 = vector.broadcast %broadcast_in_dim3A : f32 to vector<16xf32>
    %while3A = arith.constant 0 : i32
    %while3A_49 = arith.subi %mul3A_47, %while3A : i32
    %while3A_50 = arith.addi %while3A, %while3A_49 : i32
    %while3A_51 = arith.constant 1 : i32
    %while3A_52 = arith.divsi %while3A_49, %while3A_51 : i32
    %while3A_53 = arith.muli %while3A_52, %while3A_51 : i32
    %while3A_54 = arith.addi %while3A, %while3A_53 : i32
    %while3A_55 = arith.constant 1 : i32
    %while3A_56 = scf.for %while3A_185 = %while3A to %while3A_54 step %while3A_55 iter_args(%while3A_186 = %broadcast_in_dim3A_48) -> (vector<16xf32>)  : i32 {
      %mul3A_187 = arith.constant 16 : i32
      %mul3A_188 = arith.muli %while3A_185, %mul3A_187 : i32
      %get3A = arith.index_cast %mul3A_188 : i32 to index
      %get3A_189 = tpu.vector_load %arg12[%get3A] {strides = array<i32>} : memref<8192xf32, #tpu.memory_space<vmem>>, vector<16xf32>,
      %add3A_190 = arith.addf %while3A_186, %get3A_189 : vector<16xf32>
      scf.yield %add3A_190 : vector<16xf32>
    }
    %while3A_57 = arith.constant 1 : i32
    %while3A_58 = scf.for %while3A_185 = %while3A_54 to %while3A_50 step %while3A_57 iter_args(%while3A_186 = %while3A_56) -> (vector<16xf32>)  : i32 {
      %mul3A_187 = arith.constant 16 : i32
      %mul3A_188 = arith.muli %while3A_185, %mul3A_187 : i32
      %get3A = arith.index_cast %mul3A_188 : i32 to index
      %get3A_189 = tpu.vector_load %arg12[%get3A] {strides = array<i32>} : memref<8192xf32, #tpu.memory_space<vmem>>, vector<16xf32>,
      %add3A_190 = arith.addf %while3A_186, %get3A_189 : vector<16xf32>
      scf.yield %add3A_190 : vector<16xf32>
    }
    %reduce_sum3A = arith.constant true
    %reduce_sum3A_59 = vector.broadcast %reduce_sum3A : i1 to vector<16xi1>
    %reduce_sum3A_60 = tpu.scan <sum>, %while3A_58 masked %reduce_sum3A_59 : vector<16xf32>, vector<16xi1> -> vector<16xf32>
    %reduce_sum3A_61 = vector.extract %reduce_sum3A_60[15] : f32 from vector<16xf32>
    %scan3A_62 = arith.constant 0 : i32
    %scan3A_63 = arith.constant 32 : i32
    %scan3A_64 = arith.addi %scan3A_62, %scan3A_63 : i32
    %scan3A_65 = arith.constant 1 : i32
    %scan3A_66 = scf.for %scan3A_185 = %scan3A_62 to %scan3A_64 step %scan3A_65 iter_args(%scan3A_186 = %reduce_sum3A_61) -> (f32)  : i32 {
      %mul3A_187 = arith.constant 16 : i32
      %mul3A_188 = arith.muli %scan3A_185, %mul3A_187 : i32
      %get3A = arith.index_cast %mul3A_188 : i32 to index
      %get3A_189 = tpu.vector_load %arg15[%get3A] {strides = array<i32>} : memref<512xf32, #tpu.memory_space<vmem>>, vector<16xf32>,
      %mul3A_190 = arith.constant 16 : i32
      %mul3A_191 = arith.muli %scan3A_185, %mul3A_190 : i32
      %get3A_192 = arith.index_cast %mul3A_191 : i32 to index
      %get3A_193 = tpu.vector_load %arg16[%get3A_192] {strides = array<i32>} : memref<512xf32, #tpu.memory_space<vmem>>, vector<16xf32>,
      %broadcast_in_dim3A_194 = arith.constant true
      %broadcast_in_dim3A_195 = vector.broadcast %broadcast_in_dim3A_194 : i1 to vector<16xi1>
      %masked_cumsum3A = tpu.scan <sum>, %get3A_193 masked %broadcast_in_dim3A_195 : vector<16xf32>, vector<16xi1> -> vector<16xf32>
      %add3A_196 = vector.broadcast %scan3A_186 : f32 to vector<16xf32>
      %add3A_197 = arith.addf %masked_cumsum3A, %add3A_196 : vector<16xf32>
      %sub3A_198 = arith.subf %add3A_197, %get3A_193 : vector<16xf32>
      %mul3A_199 = arith.constant 16 : i32
      %mul3A_200 = arith.muli %scan3A_185, %mul3A_199 : i32
      %get3A_201 = arith.index_cast %mul3A_200 : i32 to index
      %get3A_202 = tpu.vector_load %arg13[%get3A_201] {strides = array<i32>} : memref<512xf32, #tpu.memory_space<vmem>>, vector<16xf32>,
      %mul3A_203 = arith.mulf %get3A_189, %get3A_202 : vector<16xf32>
      %sub3A_204 = arith.subf %sub3A_198, %mul3A_203 : vector<16xf32>
      %mul3A_205 = arith.constant 16 : i32
      %mul3A_206 = arith.muli %scan3A_185, %mul3A_205 : i32
      %swap3A = arith.index_cast %mul3A_206 : i32 to index
      %swap3A_207 = tpu.vector_load %arg14[%swap3A] {strides = array<i32>} : memref<512xf32, #tpu.memory_space<vmem>>, vector<16xf32>,
      tpu.vector_store %arg14[%swap3A], %sub3A_204 {strides = array<i32>} : memref<512xf32, #tpu.memory_space<vmem>>, vector<16xf32>,
      %reduce_sum3A_208 = arith.constant true
      %reduce_sum3A_209 = vector.broadcast %reduce_sum3A_208 : i1 to vector<16xi1>
      %reduce_sum3A_210 = tpu.scan <sum>, %get3A_193 masked %reduce_sum3A_209 : vector<16xf32>, vector<16xi1> -> vector<16xf32>
      %reduce_sum3A_211 = vector.extract %reduce_sum3A_210[15] : f32 from vector<16xf32>
      %add3A_212 = arith.addf %scan3A_186, %reduce_sum3A_211 : f32
      scf.yield %add3A_212 : f32
    }
    %scan3A_67 = arith.constant 32 : i32
    "tpu.region"() ({
      %run_scoped3A = tpu.sem_alloc : memref<!tpu.dma_semaphore, #tpu.memory_space<semaphore_mem>>
      %dma_start3A = tpu.memref_slice %arg41[%mul3A_39] : memref<8192xf32, #tpu.memory_space<vmem_shared>> -> memref<512xf32, #tpu.memory_space<vmem_shared>>
      %dma_start3A_185 = tpu.memref_slice %arg41[%mul3A_39] : memref<8192xf32, #tpu.memory_space<vmem_shared>> -> memref<512xf32, #tpu.memory_space<vmem_shared>>
      tpu.enqueue_dma source(%arg14 : memref<512xf32, #tpu.memory_space<vmem>>) target(%dma_start3A_185 : memref<512xf32, #tpu.memory_space<vmem_shared>>) target_semaphore(%run_scoped3A : memref<!tpu.dma_semaphore, #tpu.memory_space<semaphore_mem>>)
      %dma_wait3A = tpu.memref_slice %arg41[%mul3A_39] : memref<8192xf32, #tpu.memory_space<vmem_shared>> -> memref<512xf32, #tpu.memory_space<vmem_shared>>
      %dma_wait3A_186 = tpu.memref_slice %arg41[%mul3A_39] : memref<8192xf32, #tpu.memory_space<vmem_shared>> -> memref<512xf32, #tpu.memory_space<vmem_shared>>
      tpu.wait_dma2 semaphore(%run_scoped3A : memref<!tpu.dma_semaphore, #tpu.memory_space<semaphore_mem>>) src(%arg14 : memref<512xf32, #tpu.memory_space<vmem>>) dst(%dma_wait3A_186 : memref<512xf32, #tpu.memory_space<vmem_shared>>)
      tpu.yield
    }) : () -> ()
    %barrier3A_68 = arith.constant 0 : index
    tpu.barrier barrier_id(%barrier3A_68)
    "tpu.region"() ({
      %run_scoped3A = tpu.sem_alloc : memref<!tpu.dma_semaphore, #tpu.memory_space<semaphore_mem>>
      tpu.enqueue_dma source(%arg41 : memref<8192xf32, #tpu.memory_space<vmem_shared>>) target(%arg10 : memref<8192xf32, #tpu.memory_space<vmem>>) target_semaphore(%run_scoped3A : memref<!tpu.dma_semaphore, #tpu.memory_space<semaphore_mem>>)
      tpu.wait_dma2 semaphore(%run_scoped3A : memref<!tpu.dma_semaphore, #tpu.memory_space<semaphore_mem>>) src(%arg41 : memref<8192xf32, #tpu.memory_space<vmem_shared>>) dst(%arg10 : memref<8192xf32, #tpu.memory_space<vmem>>)
      tpu.yield
    }) : () -> ()
    "tpu.region"() ({
      %run_scoped3A = tpu.sem_alloc : memref<!tpu.dma_semaphore, #tpu.memory_space<semaphore_mem>>
      tpu.enqueue_dma source(%arg42 : memref<8192xf32, #tpu.memory_space<vmem_shared>>) target(%arg11 : memref<8192xf32, #tpu.memory_space<vmem>>) target_semaphore(%run_scoped3A : memref<!tpu.dma_semaphore, #tpu.memory_space<semaphore_mem>>)
      tpu.wait_dma2 semaphore(%run_scoped3A : memref<!tpu.dma_semaphore, #tpu.memory_space<semaphore_mem>>) src(%arg42 : memref<8192xf32, #tpu.memory_space<vmem_shared>>) dst(%arg11 : memref<8192xf32, #tpu.memory_space<vmem>>)
      tpu.yield
    }) : () -> ()
    %scan3A_69 = arith.constant 0 : i32
    %scan3A_70 = arith.constant 0 : i32
    %scan3A_71 = arith.constant 4 : i32
    %scan3A_72 = arith.addi %scan3A_70, %scan3A_71 : i32
    %scan3A_73 = arith.constant 1 : i32
    %scan3A_74 = scf.for %scan3A_185 = %scan3A_70 to %scan3A_72 step %scan3A_73 iter_args(%scan3A_186 = %scan3A_69) -> (i32)  : i32 {
      %mul3A_187 = arith.constant 4 : i32
      %mul3A_188 = arith.muli %mul3A_187, %scan3A_185 : i32
      %add3A_189 = arith.constant 0 : i32
      %add3A_190 = arith.addi %mul3A_188, %add3A_189 : i32
      %lt3A_191 = arith.cmpi slt, %add3A_190, %add3A_20 : i32
      %convert_element_type3A_192 = arith.extui %lt3A_191 : i1 to i32
      %cond3A_193 = arith.constant 0 : i32
      %cond3A_194 = arith.cmpi ne, %convert_element_type3A_192, %cond3A_193 : i32
      scf.if %cond3A_194 {
        %mul3A_220 = arith.constant 32 : i32
        %mul3A_221 = arith.muli %add3A_190, %mul3A_220 : i32
        %add3A_222 = arith.addi %add3A, %mul3A_221 : i32
        %mul3A_223 = arith.constant 4000 : i32
        %mul3A_224 = arith.muli %add3A_222, %mul3A_223 : i32
        %dma_wait3A = tpu.memref_slice %arg3[%mul3A_224] : memref<2000000xi32, #tpu.memory_space<hbm>> -> memref<4000xi32, #tpu.memory_space<hbm>>
        %dma_wait3A_225 = tpu.memref_slice %arg3[%mul3A_224] : memref<2000000xi32, #tpu.memory_space<hbm>> -> memref<4000xi32, #tpu.memory_space<hbm>>
        tpu.wait_dma2 semaphore(%arg33 : memref<!tpu.dma_semaphore, #tpu.memory_space<semaphore_mem>>) src(%dma_wait3A_225 : memref<4000xi32, #tpu.memory_space<hbm>>) dst(%arg17 : memref<4000xi32, #tpu.memory_space<vmem>>)
        %mul3A_226 = arith.constant 32 : i32
        %mul3A_227 = arith.muli %add3A_190, %mul3A_226 : i32
        %add3A_228 = arith.addi %add3A, %mul3A_227 : i32
        %mul3A_229 = arith.constant 4000 : i32
        %mul3A_230 = arith.muli %add3A_228, %mul3A_229 : i32
        %dma_wait3A_231 = tpu.memref_slice %arg2[%mul3A_230] : memref<2000000xf32, #tpu.memory_space<hbm>> -> memref<4000xf32, #tpu.memory_space<hbm>>
        %dma_wait3A_232 = tpu.memref_slice %arg2[%mul3A_230] : memref<2000000xf32, #tpu.memory_space<hbm>> -> memref<4000xf32, #tpu.memory_space<hbm>>
        tpu.wait_dma2 semaphore(%arg33 : memref<!tpu.dma_semaphore, #tpu.memory_space<semaphore_mem>>) src(%dma_wait3A_232 : memref<4000xf32, #tpu.memory_space<hbm>>) dst(%arg21 : memref<4000xf32, #tpu.memory_space<vmem>>)
        %ge3A_233 = arith.constant 4 : i32
        %ge3A_234 = arith.cmpi sge, %add3A_190, %ge3A_233 : i32
        %convert_element_type3A_235 = arith.extui %ge3A_234 : i1 to i32
        %cond3A_236 = arith.constant 0 : i32
        %cond3A_237 = arith.cmpi ne, %convert_element_type3A_235, %cond3A_236 : i32
        scf.if %cond3A_237 {
          %sub3A_259 = arith.constant 4 : i32
          %sub3A_260 = arith.subi %add3A_190, %sub3A_259 : i32
          %mul3A_261 = arith.constant 32 : i32
          %mul3A_262 = arith.muli %sub3A_260, %mul3A_261 : i32
          %add3A_263 = arith.addi %add3A, %mul3A_262 : i32
          %mul3A_264 = arith.constant 4000 : i32
          %mul3A_265 = arith.muli %add3A_263, %mul3A_264 : i32
          %dma_wait3A_266 = tpu.memref_slice %arg7[%mul3A_265] : memref<2000000xf32, #tpu.memory_space<hbm>> -> memref<4000xf32, #tpu.memory_space<hbm>>
          %dma_wait3A_267 = tpu.memref_slice %arg7[%mul3A_265] : memref<2000000xf32, #tpu.memory_space<hbm>> -> memref<4000xf32, #tpu.memory_space<hbm>>
          tpu.wait_dma2 semaphore(%arg37 : memref<!tpu.dma_semaphore, #tpu.memory_space<semaphore_mem>>) src(%arg25 : memref<4000xf32, #tpu.memory_space<vmem>>) dst(%dma_wait3A_267 : memref<4000xf32, #tpu.memory_space<hbm>>)
          %mul3A_268 = arith.constant 32 : i32
          %mul3A_269 = arith.muli %sub3A_260, %mul3A_268 : i32
          %add3A_270 = arith.addi %add3A, %mul3A_269 : i32
          %mul3A_271 = arith.constant 4000 : i32
          %mul3A_272 = arith.muli %add3A_270, %mul3A_271 : i32
          %dma_wait3A_273 = tpu.memref_slice %arg8[%mul3A_272] : memref<2000000xf32, #tpu.memory_space<hbm>> -> memref<4000xf32, #tpu.memory_space<hbm>>
          %dma_wait3A_274 = tpu.memref_slice %arg8[%mul3A_272] : memref<2000000xf32, #tpu.memory_space<hbm>> -> memref<4000xf32, #tpu.memory_space<hbm>>
          tpu.wait_dma2 semaphore(%arg37 : memref<!tpu.dma_semaphore, #tpu.memory_space<semaphore_mem>>) src(%arg29 : memref<4000xf32, #tpu.memory_space<vmem>>) dst(%dma_wait3A_274 : memref<4000xf32, #tpu.memory_space<hbm>>)
        } else {
        }
        %parallel_loop3A = arith.constant 0 : i32
        %parallel_loop3A_238 = arith.constant 4000 : i32
        %parallel_loop3A_239 = arith.constant 16 : i32
        scf.for %parallel_loop3A_259 = %parallel_loop3A to %parallel_loop3A_238 step %parallel_loop3A_239  : i32 {
          %parallel_loop3A_260 = arith.index_cast %parallel_loop3A_259 : i32 to index
          %parallel_loop3A_261 = tpu.vector_load %arg17[%parallel_loop3A_260] {strides = array<i32>} : memref<4000xi32, #tpu.memory_space<vmem>>, vector<16xi32>,
          %parallel_loop3A_262 = arith.index_cast %parallel_loop3A_259 : i32 to index
          %parallel_loop3A_263 = tpu.vector_load %arg21[%parallel_loop3A_262] {strides = array<i32>} : memref<4000xf32, #tpu.memory_space<vmem>>, vector<16xf32>,
          %parallel_loop3A_264 = tpu.vector_load_idx %arg9[%parallel_loop3A_261] : memref<8192xf32, #tpu.memory_space<vmem>>[vector<16xi32>], vector<16xf32>,
          %parallel_loop3A_265 = arith.index_cast %parallel_loop3A_259 : i32 to index
          %parallel_loop3A_266 = tpu.vector_load %arg25[%parallel_loop3A_265] {strides = array<i32>} : memref<4000xf32, #tpu.memory_space<vmem>>, vector<16xf32>,
          tpu.vector_store %arg25[%parallel_loop3A_265], %parallel_loop3A_264 {strides = array<i32>} : memref<4000xf32, #tpu.memory_space<vmem>>, vector<16xf32>,
          %parallel_loop3A_267 = tpu.vector_load_idx %arg10[%parallel_loop3A_261] : memref<8192xf32, #tpu.memory_space<vmem>>[vector<16xi32>], vector<16xf32>,
          %parallel_loop3A_268 = tpu.vector_load_idx %arg11[%parallel_loop3A_261] : memref<8192xf32, #tpu.memory_space<vmem>>[vector<16xi32>], vector<16xf32>,
          %parallel_loop3A_269 = arith.mulf %parallel_loop3A_268, %parallel_loop3A_263 : vector<16xf32>
          %parallel_loop3A_270 = arith.addf %parallel_loop3A_267, %parallel_loop3A_269 : vector<16xf32>
          %parallel_loop3A_271 = arith.index_cast %parallel_loop3A_259 : i32 to index
          %parallel_loop3A_272 = tpu.vector_load %arg29[%parallel_loop3A_271] {strides = array<i32>} : memref<4000xf32, #tpu.memory_space<vmem>>, vector<16xf32>,
          tpu.vector_store %arg29[%parallel_loop3A_271], %parallel_loop3A_270 {strides = array<i32>} : memref<4000xf32, #tpu.memory_space<vmem>>, vector<16xf32>,
        } {sc.loop_unroll_factor = 10 : i64, sc.parallel_access}
        %mul3A_240 = arith.constant 32 : i32
        %mul3A_241 = arith.muli %add3A_190, %mul3A_240 : i32
        %add3A_242 = arith.addi %add3A, %mul3A_241 : i32
        %mul3A_243 = arith.constant 4000 : i32
        %mul3A_244 = arith.muli %add3A_242, %mul3A_243 : i32
        %dma_start3A = tpu.memref_slice %arg7[%mul3A_244] : memref<2000000xf32, #tpu.memory_space<hbm>> -> memref<4000xf32, #tpu.memory_space<hbm>>
        %dma_start3A_245 = tpu.memref_slice %arg7[%mul3A_244] : memref<2000000xf32, #tpu.memory_space<hbm>> -> memref<4000xf32, #tpu.memory_space<hbm>>
        tpu.enqueue_dma source(%arg25 : memref<4000xf32, #tpu.memory_space<vmem>>) target(%dma_start3A_245 : memref<4000xf32, #tpu.memory_space<hbm>>) target_semaphore(%arg37 : memref<!tpu.dma_semaphore, #tpu.memory_space<semaphore_mem>>)
        %mul3A_246 = arith.constant 32 : i32
        %mul3A_247 = arith.muli %add3A_190, %mul3A_246 : i32
        %add3A_248 = arith.addi %add3A, %mul3A_247 : i32
        %mul3A_249 = arith.constant 4000 : i32
        %mul3A_250 = arith.muli %add3A_248, %mul3A_249 : i32
        %dma_start3A_251 = tpu.memref_slice %arg8[%mul3A_250] : memref<2000000xf32, #tpu.memory_space<hbm>> -> memref<4000xf32, #tpu.memory_space<hbm>>
        %dma_start3A_252 = tpu.memref_slice %arg8[%mul3A_250] : memref<2000000xf32, #tpu.memory_space<hbm>> -> memref<4000xf32, #tpu.memory_space<hbm>>
        tpu.enqueue_dma source(%arg29 : memref<4000xf32, #tpu.memory_space<vmem>>) target(%dma_start3A_252 : memref<4000xf32, #tpu.memory_space<hbm>>) target_semaphore(%arg37 : memref<!tpu.dma_semaphore, #tpu.memory_space<semaphore_mem>>)
        %add3A_253 = arith.constant 4 : i32
        %add3A_254 = arith.addi %add3A_190, %add3A_253 : i32
        %lt3A_255 = arith.cmpi slt, %add3A_254, %add3A_20 : i32
        %convert_element_type3A_256 = arith.extui %lt3A_255 : i1 to i32
        %cond3A_257 = arith.constant 0 : i32
        %cond3A_258 = arith.cmpi ne, %convert_element_type3A_256, %cond3A_257 : i32
        scf.if %cond3A_258 {
          %add3A_259 = arith.constant 4 : i32
          %add3A_260 = arith.addi %add3A_190, %add3A_259 : i32
          %mul3A_261 = arith.constant 32 : i32
          %mul3A_262 = arith.muli %add3A_260, %mul3A_261 : i32
          %add3A_263 = arith.addi %add3A, %mul3A_262 : i32
          %mul3A_264 = arith.constant 4000 : i32
          %mul3A_265 = arith.muli %add3A_263, %mul3A_264 : i32
          %dma_start3A_266 = tpu.memref_slice %arg3[%mul3A_265] : memref<2000000xi32, #tpu.memory_space<hbm>> -> memref<4000xi32, #tpu.memory_space<hbm>>
          %dma_start3A_267 = tpu.memref_slice %arg3[%mul3A_265] : memref<2000000xi32, #tpu.memory_space<hbm>> -> memref<4000xi32, #tpu.memory_space<hbm>>
          tpu.enqueue_dma source(%dma_start3A_267 : memref<4000xi32, #tpu.memory_space<hbm>>) target(%arg17 : memref<4000xi32, #tpu.memory_space<vmem>>) target_semaphore(%arg33 : memref<!tpu.dma_semaphore, #tpu.memory_space<semaphore_mem>>)
          %mul3A_268 = arith.constant 32 : i32
          %mul3A_269 = arith.muli %add3A_260, %mul3A_268 : i32
          %add3A_270 = arith.addi %add3A, %mul3A_269 : i32
          %mul3A_271 = arith.constant 4000 : i32
          %mul3A_272 = arith.muli %add3A_270, %mul3A_271 : i32
          %dma_start3A_273 = tpu.memref_slice %arg2[%mul3A_272] : memref<2000000xf32, #tpu.memory_space<hbm>> -> memref<4000xf32, #tpu.memory_space<hbm>>
          %dma_start3A_274 = tpu.memref_slice %arg2[%mul3A_272] : memref<2000000xf32, #tpu.memory_space<hbm>> -> memref<4000xf32, #tpu.memory_space<hbm>>
          tpu.enqueue_dma source(%dma_start3A_274 : memref<4000xf32, #tpu.memory_space<hbm>>) target(%arg21 : memref<4000xf32, #tpu.memory_space<vmem>>) target_semaphore(%arg33 : memref<!tpu.dma_semaphore, #tpu.memory_space<semaphore_mem>>)
        } else {
        }
      } else {
      }
      %mul3A_195 = arith.constant 4 : i32
      %mul3A_196 = arith.muli %mul3A_195, %scan3A_185 : i32
      %add3A_197 = arith.constant 1 : i32
      %add3A_198 = arith.addi %mul3A_196, %add3A_197 : i32
      %lt3A_199 = arith.cmpi slt, %add3A_198, %add3A_20 : i32
      %convert_element_type3A_200 = arith.extui %lt3A_199 : i1 to i32
      %cond3A_201 = arith.constant 0 : i32
      %cond3A_202 = arith.cmpi ne, %convert_element_type3A_200, %cond3A_201 : i32
      scf.if %cond3A_202 {
        %mul3A_220 = arith.constant 32 : i32
        %mul3A_221 = arith.muli %add3A_198, %mul3A_220 : i32
        %add3A_222 = arith.addi %add3A, %mul3A_221 : i32
        %mul3A_223 = arith.constant 4000 : i32
        %mul3A_224 = arith.muli %add3A_222, %mul3A_223 : i32
        %dma_wait3A = tpu.memref_slice %arg3[%mul3A_224] : memref<2000000xi32, #tpu.memory_space<hbm>> -> memref<4000xi32, #tpu.memory_space<hbm>>
        %dma_wait3A_225 = tpu.memref_slice %arg3[%mul3A_224] : memref<2000000xi32, #tpu.memory_space<hbm>> -> memref<4000xi32, #tpu.memory_space<hbm>>
        tpu.wait_dma2 semaphore(%arg34 : memref<!tpu.dma_semaphore, #tpu.memory_space<semaphore_mem>>) src(%dma_wait3A_225 : memref<4000xi32, #tpu.memory_space<hbm>>) dst(%arg18 : memref<4000xi32, #tpu.memory_space<vmem>>)
        %mul3A_226 = arith.constant 32 : i32
        %mul3A_227 = arith.muli %add3A_198, %mul3A_226 : i32
        %add3A_228 = arith.addi %add3A, %mul3A_227 : i32
        %mul3A_229 = arith.constant 4000 : i32
        %mul3A_230 = arith.muli %add3A_228, %mul3A_229 : i32
        %dma_wait3A_231 = tpu.memref_slice %arg2[%mul3A_230] : memref<2000000xf32, #tpu.memory_space<hbm>> -> memref<4000xf32, #tpu.memory_space<hbm>>
        %dma_wait3A_232 = tpu.memref_slice %arg2[%mul3A_230] : memref<2000000xf32, #tpu.memory_space<hbm>> -> memref<4000xf32, #tpu.memory_space<hbm>>
        tpu.wait_dma2 semaphore(%arg34 : memref<!tpu.dma_semaphore, #tpu.memory_space<semaphore_mem>>) src(%dma_wait3A_232 : memref<4000xf32, #tpu.memory_space<hbm>>) dst(%arg22 : memref<4000xf32, #tpu.memory_space<vmem>>)
        %ge3A_233 = arith.constant 4 : i32
        %ge3A_234 = arith.cmpi sge, %add3A_198, %ge3A_233 : i32
        %convert_element_type3A_235 = arith.extui %ge3A_234 : i1 to i32
        %cond3A_236 = arith.constant 0 : i32
        %cond3A_237 = arith.cmpi ne, %convert_element_type3A_235, %cond3A_236 : i32
        scf.if %cond3A_237 {
          %sub3A_259 = arith.constant 4 : i32
          %sub3A_260 = arith.subi %add3A_198, %sub3A_259 : i32
          %mul3A_261 = arith.constant 32 : i32
          %mul3A_262 = arith.muli %sub3A_260, %mul3A_261 : i32
          %add3A_263 = arith.addi %add3A, %mul3A_262 : i32
          %mul3A_264 = arith.constant 4000 : i32
          %mul3A_265 = arith.muli %add3A_263, %mul3A_264 : i32
          %dma_wait3A_266 = tpu.memref_slice %arg7[%mul3A_265] : memref<2000000xf32, #tpu.memory_space<hbm>> -> memref<4000xf32, #tpu.memory_space<hbm>>
          %dma_wait3A_267 = tpu.memref_slice %arg7[%mul3A_265] : memref<2000000xf32, #tpu.memory_space<hbm>> -> memref<4000xf32, #tpu.memory_space<hbm>>
          tpu.wait_dma2 semaphore(%arg38 : memref<!tpu.dma_semaphore, #tpu.memory_space<semaphore_mem>>) src(%arg26 : memref<4000xf32, #tpu.memory_space<vmem>>) dst(%dma_wait3A_267 : memref<4000xf32, #tpu.memory_space<hbm>>)
          %mul3A_268 = arith.constant 32 : i32
          %mul3A_269 = arith.muli %sub3A_260, %mul3A_268 : i32
          %add3A_270 = arith.addi %add3A, %mul3A_269 : i32
          %mul3A_271 = arith.constant 4000 : i32
          %mul3A_272 = arith.muli %add3A_270, %mul3A_271 : i32
          %dma_wait3A_273 = tpu.memref_slice %arg8[%mul3A_272] : memref<2000000xf32, #tpu.memory_space<hbm>> -> memref<4000xf32, #tpu.memory_space<hbm>>
          %dma_wait3A_274 = tpu.memref_slice %arg8[%mul3A_272] : memref<2000000xf32, #tpu.memory_space<hbm>> -> memref<4000xf32, #tpu.memory_space<hbm>>
          tpu.wait_dma2 semaphore(%arg38 : memref<!tpu.dma_semaphore, #tpu.memory_space<semaphore_mem>>) src(%arg30 : memref<4000xf32, #tpu.memory_space<vmem>>) dst(%dma_wait3A_274 : memref<4000xf32, #tpu.memory_space<hbm>>)
        } else {
        }
        %parallel_loop3A = arith.constant 0 : i32
        %parallel_loop3A_238 = arith.constant 4000 : i32
        %parallel_loop3A_239 = arith.constant 16 : i32
        scf.for %parallel_loop3A_259 = %parallel_loop3A to %parallel_loop3A_238 step %parallel_loop3A_239  : i32 {
          %parallel_loop3A_260 = arith.index_cast %parallel_loop3A_259 : i32 to index
          %parallel_loop3A_261 = tpu.vector_load %arg18[%parallel_loop3A_260] {strides = array<i32>} : memref<4000xi32, #tpu.memory_space<vmem>>, vector<16xi32>,
          %parallel_loop3A_262 = arith.index_cast %parallel_loop3A_259 : i32 to index
          %parallel_loop3A_263 = tpu.vector_load %arg22[%parallel_loop3A_262] {strides = array<i32>} : memref<4000xf32, #tpu.memory_space<vmem>>, vector<16xf32>,
          %parallel_loop3A_264 = tpu.vector_load_idx %arg9[%parallel_loop3A_261] : memref<8192xf32, #tpu.memory_space<vmem>>[vector<16xi32>], vector<16xf32>,
          %parallel_loop3A_265 = arith.index_cast %parallel_loop3A_259 : i32 to index
          %parallel_loop3A_266 = tpu.vector_load %arg26[%parallel_loop3A_265] {strides = array<i32>} : memref<4000xf32, #tpu.memory_space<vmem>>, vector<16xf32>,
          tpu.vector_store %arg26[%parallel_loop3A_265], %parallel_loop3A_264 {strides = array<i32>} : memref<4000xf32, #tpu.memory_space<vmem>>, vector<16xf32>,
          %parallel_loop3A_267 = tpu.vector_load_idx %arg10[%parallel_loop3A_261] : memref<8192xf32, #tpu.memory_space<vmem>>[vector<16xi32>], vector<16xf32>,
          %parallel_loop3A_268 = tpu.vector_load_idx %arg11[%parallel_loop3A_261] : memref<8192xf32, #tpu.memory_space<vmem>>[vector<16xi32>], vector<16xf32>,
          %parallel_loop3A_269 = arith.mulf %parallel_loop3A_268, %parallel_loop3A_263 : vector<16xf32>
          %parallel_loop3A_270 = arith.addf %parallel_loop3A_267, %parallel_loop3A_269 : vector<16xf32>
          %parallel_loop3A_271 = arith.index_cast %parallel_loop3A_259 : i32 to index
          %parallel_loop3A_272 = tpu.vector_load %arg30[%parallel_loop3A_271] {strides = array<i32>} : memref<4000xf32, #tpu.memory_space<vmem>>, vector<16xf32>,
          tpu.vector_store %arg30[%parallel_loop3A_271], %parallel_loop3A_270 {strides = array<i32>} : memref<4000xf32, #tpu.memory_space<vmem>>, vector<16xf32>,
        } {sc.loop_unroll_factor = 10 : i64, sc.parallel_access}
        %mul3A_240 = arith.constant 32 : i32
        %mul3A_241 = arith.muli %add3A_198, %mul3A_240 : i32
        %add3A_242 = arith.addi %add3A, %mul3A_241 : i32
        %mul3A_243 = arith.constant 4000 : i32
        %mul3A_244 = arith.muli %add3A_242, %mul3A_243 : i32
        %dma_start3A = tpu.memref_slice %arg7[%mul3A_244] : memref<2000000xf32, #tpu.memory_space<hbm>> -> memref<4000xf32, #tpu.memory_space<hbm>>
        %dma_start3A_245 = tpu.memref_slice %arg7[%mul3A_244] : memref<2000000xf32, #tpu.memory_space<hbm>> -> memref<4000xf32, #tpu.memory_space<hbm>>
        tpu.enqueue_dma source(%arg26 : memref<4000xf32, #tpu.memory_space<vmem>>) target(%dma_start3A_245 : memref<4000xf32, #tpu.memory_space<hbm>>) target_semaphore(%arg38 : memref<!tpu.dma_semaphore, #tpu.memory_space<semaphore_mem>>)
        %mul3A_246 = arith.constant 32 : i32
        %mul3A_247 = arith.muli %add3A_198, %mul3A_246 : i32
        %add3A_248 = arith.addi %add3A, %mul3A_247 : i32
        %mul3A_249 = arith.constant 4000 : i32
        %mul3A_250 = arith.muli %add3A_248, %mul3A_249 : i32
        %dma_start3A_251 = tpu.memref_slice %arg8[%mul3A_250] : memref<2000000xf32, #tpu.memory_space<hbm>> -> memref<4000xf32, #tpu.memory_space<hbm>>
        %dma_start3A_252 = tpu.memref_slice %arg8[%mul3A_250] : memref<2000000xf32, #tpu.memory_space<hbm>> -> memref<4000xf32, #tpu.memory_space<hbm>>
        tpu.enqueue_dma source(%arg30 : memref<4000xf32, #tpu.memory_space<vmem>>) target(%dma_start3A_252 : memref<4000xf32, #tpu.memory_space<hbm>>) target_semaphore(%arg38 : memref<!tpu.dma_semaphore, #tpu.memory_space<semaphore_mem>>)
        %add3A_253 = arith.constant 4 : i32
        %add3A_254 = arith.addi %add3A_198, %add3A_253 : i32
        %lt3A_255 = arith.cmpi slt, %add3A_254, %add3A_20 : i32
        %convert_element_type3A_256 = arith.extui %lt3A_255 : i1 to i32
        %cond3A_257 = arith.constant 0 : i32
        %cond3A_258 = arith.cmpi ne, %convert_element_type3A_256, %cond3A_257 : i32
        scf.if %cond3A_258 {
          %add3A_259 = arith.constant 4 : i32
          %add3A_260 = arith.addi %add3A_198, %add3A_259 : i32
          %mul3A_261 = arith.constant 32 : i32
          %mul3A_262 = arith.muli %add3A_260, %mul3A_261 : i32
          %add3A_263 = arith.addi %add3A, %mul3A_262 : i32
          %mul3A_264 = arith.constant 4000 : i32
          %mul3A_265 = arith.muli %add3A_263, %mul3A_264 : i32
          %dma_start3A_266 = tpu.memref_slice %arg3[%mul3A_265] : memref<2000000xi32, #tpu.memory_space<hbm>> -> memref<4000xi32, #tpu.memory_space<hbm>>
          %dma_start3A_267 = tpu.memref_slice %arg3[%mul3A_265] : memref<2000000xi32, #tpu.memory_space<hbm>> -> memref<4000xi32, #tpu.memory_space<hbm>>
          tpu.enqueue_dma source(%dma_start3A_267 : memref<4000xi32, #tpu.memory_space<hbm>>) target(%arg18 : memref<4000xi32, #tpu.memory_space<vmem>>) target_semaphore(%arg34 : memref<!tpu.dma_semaphore, #tpu.memory_space<semaphore_mem>>)
          %mul3A_268 = arith.constant 32 : i32
          %mul3A_269 = arith.muli %add3A_260, %mul3A_268 : i32
          %add3A_270 = arith.addi %add3A, %mul3A_269 : i32
          %mul3A_271 = arith.constant 4000 : i32
          %mul3A_272 = arith.muli %add3A_270, %mul3A_271 : i32
          %dma_start3A_273 = tpu.memref_slice %arg2[%mul3A_272] : memref<2000000xf32, #tpu.memory_space<hbm>> -> memref<4000xf32, #tpu.memory_space<hbm>>
          %dma_start3A_274 = tpu.memref_slice %arg2[%mul3A_272] : memref<2000000xf32, #tpu.memory_space<hbm>> -> memref<4000xf32, #tpu.memory_space<hbm>>
          tpu.enqueue_dma source(%dma_start3A_274 : memref<4000xf32, #tpu.memory_space<hbm>>) target(%arg22 : memref<4000xf32, #tpu.memory_space<vmem>>) target_semaphore(%arg34 : memref<!tpu.dma_semaphore, #tpu.memory_space<semaphore_mem>>)
        } else {
        }
      } else {
      }
      %mul3A_203 = arith.constant 4 : i32
      %mul3A_204 = arith.muli %mul3A_203, %scan3A_185 : i32
      %add3A_205 = arith.constant 2 : i32
      %add3A_206 = arith.addi %mul3A_204, %add3A_205 : i32
      %lt3A_207 = arith.cmpi slt, %add3A_206, %add3A_20 : i32
      %convert_element_type3A_208 = arith.extui %lt3A_207 : i1 to i32
      %cond3A_209 = arith.constant 0 : i32
      %cond3A_210 = arith.cmpi ne, %convert_element_type3A_208, %cond3A_209 : i32
      scf.if %cond3A_210 {
        %mul3A_220 = arith.constant 32 : i32
        %mul3A_221 = arith.muli %add3A_206, %mul3A_220 : i32
        %add3A_222 = arith.addi %add3A, %mul3A_221 : i32
        %mul3A_223 = arith.constant 4000 : i32
        %mul3A_224 = arith.muli %add3A_222, %mul3A_223 : i32
        %dma_wait3A = tpu.memref_slice %arg3[%mul3A_224] : memref<2000000xi32, #tpu.memory_space<hbm>> -> memref<4000xi32, #tpu.memory_space<hbm>>
        %dma_wait3A_225 = tpu.memref_slice %arg3[%mul3A_224] : memref<2000000xi32, #tpu.memory_space<hbm>> -> memref<4000xi32, #tpu.memory_space<hbm>>
        tpu.wait_dma2 semaphore(%arg35 : memref<!tpu.dma_semaphore, #tpu.memory_space<semaphore_mem>>) src(%dma_wait3A_225 : memref<4000xi32, #tpu.memory_space<hbm>>) dst(%arg19 : memref<4000xi32, #tpu.memory_space<vmem>>)
        %mul3A_226 = arith.constant 32 : i32
        %mul3A_227 = arith.muli %add3A_206, %mul3A_226 : i32
        %add3A_228 = arith.addi %add3A, %mul3A_227 : i32
        %mul3A_229 = arith.constant 4000 : i32
        %mul3A_230 = arith.muli %add3A_228, %mul3A_229 : i32
        %dma_wait3A_231 = tpu.memref_slice %arg2[%mul3A_230] : memref<2000000xf32, #tpu.memory_space<hbm>> -> memref<4000xf32, #tpu.memory_space<hbm>>
        %dma_wait3A_232 = tpu.memref_slice %arg2[%mul3A_230] : memref<2000000xf32, #tpu.memory_space<hbm>> -> memref<4000xf32, #tpu.memory_space<hbm>>
        tpu.wait_dma2 semaphore(%arg35 : memref<!tpu.dma_semaphore, #tpu.memory_space<semaphore_mem>>) src(%dma_wait3A_232 : memref<4000xf32, #tpu.memory_space<hbm>>) dst(%arg23 : memref<4000xf32, #tpu.memory_space<vmem>>)
        %ge3A_233 = arith.constant 4 : i32
        %ge3A_234 = arith.cmpi sge, %add3A_206, %ge3A_233 : i32
        %convert_element_type3A_235 = arith.extui %ge3A_234 : i1 to i32
        %cond3A_236 = arith.constant 0 : i32
        %cond3A_237 = arith.cmpi ne, %convert_element_type3A_235, %cond3A_236 : i32
        scf.if %cond3A_237 {
          %sub3A_259 = arith.constant 4 : i32
          %sub3A_260 = arith.subi %add3A_206, %sub3A_259 : i32
          %mul3A_261 = arith.constant 32 : i32
          %mul3A_262 = arith.muli %sub3A_260, %mul3A_261 : i32
          %add3A_263 = arith.addi %add3A, %mul3A_262 : i32
          %mul3A_264 = arith.constant 4000 : i32
          %mul3A_265 = arith.muli %add3A_263, %mul3A_264 : i32
          %dma_wait3A_266 = tpu.memref_slice %arg7[%mul3A_265] : memref<2000000xf32, #tpu.memory_space<hbm>> -> memref<4000xf32, #tpu.memory_space<hbm>>
          %dma_wait3A_267 = tpu.memref_slice %arg7[%mul3A_265] : memref<2000000xf32, #tpu.memory_space<hbm>> -> memref<4000xf32, #tpu.memory_space<hbm>>
          tpu.wait_dma2 semaphore(%arg39 : memref<!tpu.dma_semaphore, #tpu.memory_space<semaphore_mem>>) src(%arg27 : memref<4000xf32, #tpu.memory_space<vmem>>) dst(%dma_wait3A_267 : memref<4000xf32, #tpu.memory_space<hbm>>)
          %mul3A_268 = arith.constant 32 : i32
          %mul3A_269 = arith.muli %sub3A_260, %mul3A_268 : i32
          %add3A_270 = arith.addi %add3A, %mul3A_269 : i32
          %mul3A_271 = arith.constant 4000 : i32
          %mul3A_272 = arith.muli %add3A_270, %mul3A_271 : i32
          %dma_wait3A_273 = tpu.memref_slice %arg8[%mul3A_272] : memref<2000000xf32, #tpu.memory_space<hbm>> -> memref<4000xf32, #tpu.memory_space<hbm>>
          %dma_wait3A_274 = tpu.memref_slice %arg8[%mul3A_272] : memref<2000000xf32, #tpu.memory_space<hbm>> -> memref<4000xf32, #tpu.memory_space<hbm>>
          tpu.wait_dma2 semaphore(%arg39 : memref<!tpu.dma_semaphore, #tpu.memory_space<semaphore_mem>>) src(%arg31 : memref<4000xf32, #tpu.memory_space<vmem>>) dst(%dma_wait3A_274 : memref<4000xf32, #tpu.memory_space<hbm>>)
        } else {
        }
        %parallel_loop3A = arith.constant 0 : i32
        %parallel_loop3A_238 = arith.constant 4000 : i32
        %parallel_loop3A_239 = arith.constant 16 : i32
        scf.for %parallel_loop3A_259 = %parallel_loop3A to %parallel_loop3A_238 step %parallel_loop3A_239  : i32 {
          %parallel_loop3A_260 = arith.index_cast %parallel_loop3A_259 : i32 to index
          %parallel_loop3A_261 = tpu.vector_load %arg19[%parallel_loop3A_260] {strides = array<i32>} : memref<4000xi32, #tpu.memory_space<vmem>>, vector<16xi32>,
          %parallel_loop3A_262 = arith.index_cast %parallel_loop3A_259 : i32 to index
          %parallel_loop3A_263 = tpu.vector_load %arg23[%parallel_loop3A_262] {strides = array<i32>} : memref<4000xf32, #tpu.memory_space<vmem>>, vector<16xf32>,
          %parallel_loop3A_264 = tpu.vector_load_idx %arg9[%parallel_loop3A_261] : memref<8192xf32, #tpu.memory_space<vmem>>[vector<16xi32>], vector<16xf32>,
          %parallel_loop3A_265 = arith.index_cast %parallel_loop3A_259 : i32 to index
          %parallel_loop3A_266 = tpu.vector_load %arg27[%parallel_loop3A_265] {strides = array<i32>} : memref<4000xf32, #tpu.memory_space<vmem>>, vector<16xf32>,
          tpu.vector_store %arg27[%parallel_loop3A_265], %parallel_loop3A_264 {strides = array<i32>} : memref<4000xf32, #tpu.memory_space<vmem>>, vector<16xf32>,
          %parallel_loop3A_267 = tpu.vector_load_idx %arg10[%parallel_loop3A_261] : memref<8192xf32, #tpu.memory_space<vmem>>[vector<16xi32>], vector<16xf32>,
          %parallel_loop3A_268 = tpu.vector_load_idx %arg11[%parallel_loop3A_261] : memref<8192xf32, #tpu.memory_space<vmem>>[vector<16xi32>], vector<16xf32>,
          %parallel_loop3A_269 = arith.mulf %parallel_loop3A_268, %parallel_loop3A_263 : vector<16xf32>
          %parallel_loop3A_270 = arith.addf %parallel_loop3A_267, %parallel_loop3A_269 : vector<16xf32>
          %parallel_loop3A_271 = arith.index_cast %parallel_loop3A_259 : i32 to index
          %parallel_loop3A_272 = tpu.vector_load %arg31[%parallel_loop3A_271] {strides = array<i32>} : memref<4000xf32, #tpu.memory_space<vmem>>, vector<16xf32>,
          tpu.vector_store %arg31[%parallel_loop3A_271], %parallel_loop3A_270 {strides = array<i32>} : memref<4000xf32, #tpu.memory_space<vmem>>, vector<16xf32>,
        } {sc.loop_unroll_factor = 10 : i64, sc.parallel_access}
        %mul3A_240 = arith.constant 32 : i32
        %mul3A_241 = arith.muli %add3A_206, %mul3A_240 : i32
        %add3A_242 = arith.addi %add3A, %mul3A_241 : i32
        %mul3A_243 = arith.constant 4000 : i32
        %mul3A_244 = arith.muli %add3A_242, %mul3A_243 : i32
        %dma_start3A = tpu.memref_slice %arg7[%mul3A_244] : memref<2000000xf32, #tpu.memory_space<hbm>> -> memref<4000xf32, #tpu.memory_space<hbm>>
        %dma_start3A_245 = tpu.memref_slice %arg7[%mul3A_244] : memref<2000000xf32, #tpu.memory_space<hbm>> -> memref<4000xf32, #tpu.memory_space<hbm>>
        tpu.enqueue_dma source(%arg27 : memref<4000xf32, #tpu.memory_space<vmem>>) target(%dma_start3A_245 : memref<4000xf32, #tpu.memory_space<hbm>>) target_semaphore(%arg39 : memref<!tpu.dma_semaphore, #tpu.memory_space<semaphore_mem>>)
        %mul3A_246 = arith.constant 32 : i32
        %mul3A_247 = arith.muli %add3A_206, %mul3A_246 : i32
        %add3A_248 = arith.addi %add3A, %mul3A_247 : i32
        %mul3A_249 = arith.constant 4000 : i32
        %mul3A_250 = arith.muli %add3A_248, %mul3A_249 : i32
        %dma_start3A_251 = tpu.memref_slice %arg8[%mul3A_250] : memref<2000000xf32, #tpu.memory_space<hbm>> -> memref<4000xf32, #tpu.memory_space<hbm>>
        %dma_start3A_252 = tpu.memref_slice %arg8[%mul3A_250] : memref<2000000xf32, #tpu.memory_space<hbm>> -> memref<4000xf32, #tpu.memory_space<hbm>>
        tpu.enqueue_dma source(%arg31 : memref<4000xf32, #tpu.memory_space<vmem>>) target(%dma_start3A_252 : memref<4000xf32, #tpu.memory_space<hbm>>) target_semaphore(%arg39 : memref<!tpu.dma_semaphore, #tpu.memory_space<semaphore_mem>>)
        %add3A_253 = arith.constant 4 : i32
        %add3A_254 = arith.addi %add3A_206, %add3A_253 : i32
        %lt3A_255 = arith.cmpi slt, %add3A_254, %add3A_20 : i32
        %convert_element_type3A_256 = arith.extui %lt3A_255 : i1 to i32
        %cond3A_257 = arith.constant 0 : i32
        %cond3A_258 = arith.cmpi ne, %convert_element_type3A_256, %cond3A_257 : i32
        scf.if %cond3A_258 {
          %add3A_259 = arith.constant 4 : i32
          %add3A_260 = arith.addi %add3A_206, %add3A_259 : i32
          %mul3A_261 = arith.constant 32 : i32
          %mul3A_262 = arith.muli %add3A_260, %mul3A_261 : i32
          %add3A_263 = arith.addi %add3A, %mul3A_262 : i32
          %mul3A_264 = arith.constant 4000 : i32
          %mul3A_265 = arith.muli %add3A_263, %mul3A_264 : i32
          %dma_start3A_266 = tpu.memref_slice %arg3[%mul3A_265] : memref<2000000xi32, #tpu.memory_space<hbm>> -> memref<4000xi32, #tpu.memory_space<hbm>>
          %dma_start3A_267 = tpu.memref_slice %arg3[%mul3A_265] : memref<2000000xi32, #tpu.memory_space<hbm>> -> memref<4000xi32, #tpu.memory_space<hbm>>
          tpu.enqueue_dma source(%dma_start3A_267 : memref<4000xi32, #tpu.memory_space<hbm>>) target(%arg19 : memref<4000xi32, #tpu.memory_space<vmem>>) target_semaphore(%arg35 : memref<!tpu.dma_semaphore, #tpu.memory_space<semaphore_mem>>)
          %mul3A_268 = arith.constant 32 : i32
          %mul3A_269 = arith.muli %add3A_260, %mul3A_268 : i32
          %add3A_270 = arith.addi %add3A, %mul3A_269 : i32
          %mul3A_271 = arith.constant 4000 : i32
          %mul3A_272 = arith.muli %add3A_270, %mul3A_271 : i32
          %dma_start3A_273 = tpu.memref_slice %arg2[%mul3A_272] : memref<2000000xf32, #tpu.memory_space<hbm>> -> memref<4000xf32, #tpu.memory_space<hbm>>
          %dma_start3A_274 = tpu.memref_slice %arg2[%mul3A_272] : memref<2000000xf32, #tpu.memory_space<hbm>> -> memref<4000xf32, #tpu.memory_space<hbm>>
          tpu.enqueue_dma source(%dma_start3A_274 : memref<4000xf32, #tpu.memory_space<hbm>>) target(%arg23 : memref<4000xf32, #tpu.memory_space<vmem>>) target_semaphore(%arg35 : memref<!tpu.dma_semaphore, #tpu.memory_space<semaphore_mem>>)
        } else {
        }
      } else {
      }
      %mul3A_211 = arith.constant 4 : i32
      %mul3A_212 = arith.muli %mul3A_211, %scan3A_185 : i32
      %add3A_213 = arith.constant 3 : i32
      %add3A_214 = arith.addi %mul3A_212, %add3A_213 : i32
      %lt3A_215 = arith.cmpi slt, %add3A_214, %add3A_20 : i32
      %convert_element_type3A_216 = arith.extui %lt3A_215 : i1 to i32
      %cond3A_217 = arith.constant 0 : i32
      %cond3A_218 = arith.cmpi ne, %convert_element_type3A_216, %cond3A_217 : i32
      scf.if %cond3A_218 {
        %mul3A_220 = arith.constant 32 : i32
        %mul3A_221 = arith.muli %add3A_214, %mul3A_220 : i32
        %add3A_222 = arith.addi %add3A, %mul3A_221 : i32
        %mul3A_223 = arith.constant 4000 : i32
        %mul3A_224 = arith.muli %add3A_222, %mul3A_223 : i32
        %dma_wait3A = tpu.memref_slice %arg3[%mul3A_224] : memref<2000000xi32, #tpu.memory_space<hbm>> -> memref<4000xi32, #tpu.memory_space<hbm>>
        %dma_wait3A_225 = tpu.memref_slice %arg3[%mul3A_224] : memref<2000000xi32, #tpu.memory_space<hbm>> -> memref<4000xi32, #tpu.memory_space<hbm>>
        tpu.wait_dma2 semaphore(%arg36 : memref<!tpu.dma_semaphore, #tpu.memory_space<semaphore_mem>>) src(%dma_wait3A_225 : memref<4000xi32, #tpu.memory_space<hbm>>) dst(%arg20 : memref<4000xi32, #tpu.memory_space<vmem>>)
        %mul3A_226 = arith.constant 32 : i32
        %mul3A_227 = arith.muli %add3A_214, %mul3A_226 : i32
        %add3A_228 = arith.addi %add3A, %mul3A_227 : i32
        %mul3A_229 = arith.constant 4000 : i32
        %mul3A_230 = arith.muli %add3A_228, %mul3A_229 : i32
        %dma_wait3A_231 = tpu.memref_slice %arg2[%mul3A_230] : memref<2000000xf32, #tpu.memory_space<hbm>> -> memref<4000xf32, #tpu.memory_space<hbm>>
        %dma_wait3A_232 = tpu.memref_slice %arg2[%mul3A_230] : memref<2000000xf32, #tpu.memory_space<hbm>> -> memref<4000xf32, #tpu.memory_space<hbm>>
        tpu.wait_dma2 semaphore(%arg36 : memref<!tpu.dma_semaphore, #tpu.memory_space<semaphore_mem>>) src(%dma_wait3A_232 : memref<4000xf32, #tpu.memory_space<hbm>>) dst(%arg24 : memref<4000xf32, #tpu.memory_space<vmem>>)
        %ge3A_233 = arith.constant 4 : i32
        %ge3A_234 = arith.cmpi sge, %add3A_214, %ge3A_233 : i32
        %convert_element_type3A_235 = arith.extui %ge3A_234 : i1 to i32
        %cond3A_236 = arith.constant 0 : i32
        %cond3A_237 = arith.cmpi ne, %convert_element_type3A_235, %cond3A_236 : i32
        scf.if %cond3A_237 {
          %sub3A_259 = arith.constant 4 : i32
          %sub3A_260 = arith.subi %add3A_214, %sub3A_259 : i32
          %mul3A_261 = arith.constant 32 : i32
          %mul3A_262 = arith.muli %sub3A_260, %mul3A_261 : i32
          %add3A_263 = arith.addi %add3A, %mul3A_262 : i32
          %mul3A_264 = arith.constant 4000 : i32
          %mul3A_265 = arith.muli %add3A_263, %mul3A_264 : i32
          %dma_wait3A_266 = tpu.memref_slice %arg7[%mul3A_265] : memref<2000000xf32, #tpu.memory_space<hbm>> -> memref<4000xf32, #tpu.memory_space<hbm>>
          %dma_wait3A_267 = tpu.memref_slice %arg7[%mul3A_265] : memref<2000000xf32, #tpu.memory_space<hbm>> -> memref<4000xf32, #tpu.memory_space<hbm>>
          tpu.wait_dma2 semaphore(%arg40 : memref<!tpu.dma_semaphore, #tpu.memory_space<semaphore_mem>>) src(%arg28 : memref<4000xf32, #tpu.memory_space<vmem>>) dst(%dma_wait3A_267 : memref<4000xf32, #tpu.memory_space<hbm>>)
          %mul3A_268 = arith.constant 32 : i32
          %mul3A_269 = arith.muli %sub3A_260, %mul3A_268 : i32
          %add3A_270 = arith.addi %add3A, %mul3A_269 : i32
          %mul3A_271 = arith.constant 4000 : i32
          %mul3A_272 = arith.muli %add3A_270, %mul3A_271 : i32
          %dma_wait3A_273 = tpu.memref_slice %arg8[%mul3A_272] : memref<2000000xf32, #tpu.memory_space<hbm>> -> memref<4000xf32, #tpu.memory_space<hbm>>
          %dma_wait3A_274 = tpu.memref_slice %arg8[%mul3A_272] : memref<2000000xf32, #tpu.memory_space<hbm>> -> memref<4000xf32, #tpu.memory_space<hbm>>
          tpu.wait_dma2 semaphore(%arg40 : memref<!tpu.dma_semaphore, #tpu.memory_space<semaphore_mem>>) src(%arg32 : memref<4000xf32, #tpu.memory_space<vmem>>) dst(%dma_wait3A_274 : memref<4000xf32, #tpu.memory_space<hbm>>)
        } else {
        }
        %parallel_loop3A = arith.constant 0 : i32
        %parallel_loop3A_238 = arith.constant 4000 : i32
        %parallel_loop3A_239 = arith.constant 16 : i32
        scf.for %parallel_loop3A_259 = %parallel_loop3A to %parallel_loop3A_238 step %parallel_loop3A_239  : i32 {
          %parallel_loop3A_260 = arith.index_cast %parallel_loop3A_259 : i32 to index
          %parallel_loop3A_261 = tpu.vector_load %arg20[%parallel_loop3A_260] {strides = array<i32>} : memref<4000xi32, #tpu.memory_space<vmem>>, vector<16xi32>,
          %parallel_loop3A_262 = arith.index_cast %parallel_loop3A_259 : i32 to index
          %parallel_loop3A_263 = tpu.vector_load %arg24[%parallel_loop3A_262] {strides = array<i32>} : memref<4000xf32, #tpu.memory_space<vmem>>, vector<16xf32>,
          %parallel_loop3A_264 = tpu.vector_load_idx %arg9[%parallel_loop3A_261] : memref<8192xf32, #tpu.memory_space<vmem>>[vector<16xi32>], vector<16xf32>,
          %parallel_loop3A_265 = arith.index_cast %parallel_loop3A_259 : i32 to index
          %parallel_loop3A_266 = tpu.vector_load %arg28[%parallel_loop3A_265] {strides = array<i32>} : memref<4000xf32, #tpu.memory_space<vmem>>, vector<16xf32>,
          tpu.vector_store %arg28[%parallel_loop3A_265], %parallel_loop3A_264 {strides = array<i32>} : memref<4000xf32, #tpu.memory_space<vmem>>, vector<16xf32>,
          %parallel_loop3A_267 = tpu.vector_load_idx %arg10[%parallel_loop3A_261] : memref<8192xf32, #tpu.memory_space<vmem>>[vector<16xi32>], vector<16xf32>,
          %parallel_loop3A_268 = tpu.vector_load_idx %arg11[%parallel_loop3A_261] : memref<8192xf32, #tpu.memory_space<vmem>>[vector<16xi32>], vector<16xf32>,
          %parallel_loop3A_269 = arith.mulf %parallel_loop3A_268, %parallel_loop3A_263 : vector<16xf32>
          %parallel_loop3A_270 = arith.addf %parallel_loop3A_267, %parallel_loop3A_269 : vector<16xf32>
          %parallel_loop3A_271 = arith.index_cast %parallel_loop3A_259 : i32 to index
          %parallel_loop3A_272 = tpu.vector_load %arg32[%parallel_loop3A_271] {strides = array<i32>} : memref<4000xf32, #tpu.memory_space<vmem>>, vector<16xf32>,
          tpu.vector_store %arg32[%parallel_loop3A_271], %parallel_loop3A_270 {strides = array<i32>} : memref<4000xf32, #tpu.memory_space<vmem>>, vector<16xf32>,
        } {sc.loop_unroll_factor = 10 : i64, sc.parallel_access}
        %mul3A_240 = arith.constant 32 : i32
        %mul3A_241 = arith.muli %add3A_214, %mul3A_240 : i32
        %add3A_242 = arith.addi %add3A, %mul3A_241 : i32
        %mul3A_243 = arith.constant 4000 : i32
        %mul3A_244 = arith.muli %add3A_242, %mul3A_243 : i32
        %dma_start3A = tpu.memref_slice %arg7[%mul3A_244] : memref<2000000xf32, #tpu.memory_space<hbm>> -> memref<4000xf32, #tpu.memory_space<hbm>>
        %dma_start3A_245 = tpu.memref_slice %arg7[%mul3A_244] : memref<2000000xf32, #tpu.memory_space<hbm>> -> memref<4000xf32, #tpu.memory_space<hbm>>
        tpu.enqueue_dma source(%arg28 : memref<4000xf32, #tpu.memory_space<vmem>>) target(%dma_start3A_245 : memref<4000xf32, #tpu.memory_space<hbm>>) target_semaphore(%arg40 : memref<!tpu.dma_semaphore, #tpu.memory_space<semaphore_mem>>)
        %mul3A_246 = arith.constant 32 : i32
        %mul3A_247 = arith.muli %add3A_214, %mul3A_246 : i32
        %add3A_248 = arith.addi %add3A, %mul3A_247 : i32
        %mul3A_249 = arith.constant 4000 : i32
        %mul3A_250 = arith.muli %add3A_248, %mul3A_249 : i32
        %dma_start3A_251 = tpu.memref_slice %arg8[%mul3A_250] : memref<2000000xf32, #tpu.memory_space<hbm>> -> memref<4000xf32, #tpu.memory_space<hbm>>
        %dma_start3A_252 = tpu.memref_slice %arg8[%mul3A_250] : memref<2000000xf32, #tpu.memory_space<hbm>> -> memref<4000xf32, #tpu.memory_space<hbm>>
        tpu.enqueue_dma source(%arg32 : memref<4000xf32, #tpu.memory_space<vmem>>) target(%dma_start3A_252 : memref<4000xf32, #tpu.memory_space<hbm>>) target_semaphore(%arg40 : memref<!tpu.dma_semaphore, #tpu.memory_space<semaphore_mem>>)
        %add3A_253 = arith.constant 4 : i32
        %add3A_254 = arith.addi %add3A_214, %add3A_253 : i32
        %lt3A_255 = arith.cmpi slt, %add3A_254, %add3A_20 : i32
        %convert_element_type3A_256 = arith.extui %lt3A_255 : i1 to i32
        %cond3A_257 = arith.constant 0 : i32
        %cond3A_258 = arith.cmpi ne, %convert_element_type3A_256, %cond3A_257 : i32
        scf.if %cond3A_258 {
          %add3A_259 = arith.constant 4 : i32
          %add3A_260 = arith.addi %add3A_214, %add3A_259 : i32
          %mul3A_261 = arith.constant 32 : i32
          %mul3A_262 = arith.muli %add3A_260, %mul3A_261 : i32
          %add3A_263 = arith.addi %add3A, %mul3A_262 : i32
          %mul3A_264 = arith.constant 4000 : i32
          %mul3A_265 = arith.muli %add3A_263, %mul3A_264 : i32
          %dma_start3A_266 = tpu.memref_slice %arg3[%mul3A_265] : memref<2000000xi32, #tpu.memory_space<hbm>> -> memref<4000xi32, #tpu.memory_space<hbm>>
          %dma_start3A_267 = tpu.memref_slice %arg3[%mul3A_265] : memref<2000000xi32, #tpu.memory_space<hbm>> -> memref<4000xi32, #tpu.memory_space<hbm>>
          tpu.enqueue_dma source(%dma_start3A_267 : memref<4000xi32, #tpu.memory_space<hbm>>) target(%arg20 : memref<4000xi32, #tpu.memory_space<vmem>>) target_semaphore(%arg36 : memref<!tpu.dma_semaphore, #tpu.memory_space<semaphore_mem>>)
          %mul3A_268 = arith.constant 32 : i32
          %mul3A_269 = arith.muli %add3A_260, %mul3A_268 : i32
          %add3A_270 = arith.addi %add3A, %mul3A_269 : i32
          %mul3A_271 = arith.constant 4000 : i32
          %mul3A_272 = arith.muli %add3A_270, %mul3A_271 : i32
          %dma_start3A_273 = tpu.memref_slice %arg2[%mul3A_272] : memref<2000000xf32, #tpu.memory_space<hbm>> -> memref<4000xf32, #tpu.memory_space<hbm>>
          %dma_start3A_274 = tpu.memref_slice %arg2[%mul3A_272] : memref<2000000xf32, #tpu.memory_space<hbm>> -> memref<4000xf32, #tpu.memory_space<hbm>>
          tpu.enqueue_dma source(%dma_start3A_274 : memref<4000xf32, #tpu.memory_space<hbm>>) target(%arg24 : memref<4000xf32, #tpu.memory_space<vmem>>) target_semaphore(%arg36 : memref<!tpu.dma_semaphore, #tpu.memory_space<semaphore_mem>>)
        } else {
        }
      } else {
      }
      %scan3A_219 = arith.constant 0 : i32
      scf.yield %scan3A_219 : i32
    }
    %scan3A_75 = arith.constant 4 : i32
    %sub3A_76 = arith.constant 1 : i32
    %sub3A_77 = arith.subi %add3A_20, %sub3A_76 : i32
    %sub3A_78 = arith.constant 1 : i32
    %sub3A_79 = arith.subi %add3A_20, %sub3A_78 : i32
    %sub3A_80 = arith.constant 0 : i32
    %sub3A_81 = arith.subi %sub3A_79, %sub3A_80 : i32
    %jit3A_82 = arith.constant 4 : i32
    %eq3A = arith.constant 0 : i32
    %eq3A_83 = arith.cmpi eq, %jit3A_82, %eq3A : i32
    %jit3A_84 = arith.constant 1 : i32
    %select_n3A_85 = arith.select %eq3A_83, %jit3A_84, %jit3A_82 : i32
    %rem3A_86 = arith.remsi %sub3A_81, %select_n3A_85 : i32
    %ne3A_87 = arith.constant 0 : i32
    %ne3A_88 = arith.cmpi ne, %rem3A_86, %ne3A_87 : i32
    %lt3A = arith.constant 0 : i32
    %lt3A_89 = arith.cmpi slt, %rem3A_86, %lt3A : i32
    %lt3A_90 = arith.constant 0 : i32
    %lt3A_91 = arith.cmpi slt, %select_n3A_85, %lt3A_90 : i32
    %ne3A_92 = arith.xori %lt3A_89, %lt3A_91 : i1
    %and3A_93 = arith.andi %ne3A_92, %ne3A_88 : i1
    %add3A_94 = arith.addi %rem3A_86, %select_n3A_85 : i32
    %select_n3A_95 = arith.select %and3A_93, %add3A_94, %rem3A_86 : i32
    %sub3A_96 = arith.subi %sub3A_77, %select_n3A_95 : i32
    %ge3A = arith.constant 0 : i32
    %ge3A_97 = arith.cmpi sge, %sub3A_96, %ge3A : i32
    %convert_element_type3A_98 = arith.extui %ge3A_97 : i1 to i32
    %cond3A_99 = arith.constant 0 : i32
    %cond3A_100 = arith.cmpi ne, %convert_element_type3A_98, %cond3A_99 : i32
    scf.if %cond3A_100 {
      %mul3A_185 = arith.constant 32 : i32
      %mul3A_186 = arith.muli %sub3A_96, %mul3A_185 : i32
      %add3A_187 = arith.addi %add3A, %mul3A_186 : i32
      %mul3A_188 = arith.constant 4000 : i32
      %mul3A_189 = arith.muli %add3A_187, %mul3A_188 : i32
      %dma_wait3A = tpu.memref_slice %arg7[%mul3A_189] : memref<2000000xf32, #tpu.memory_space<hbm>> -> memref<4000xf32, #tpu.memory_space<hbm>>
      %dma_wait3A_190 = tpu.memref_slice %arg7[%mul3A_189] : memref<2000000xf32, #tpu.memory_space<hbm>> -> memref<4000xf32, #tpu.memory_space<hbm>>
      tpu.wait_dma2 semaphore(%arg37 : memref<!tpu.dma_semaphore, #tpu.memory_space<semaphore_mem>>) src(%arg25 : memref<4000xf32, #tpu.memory_space<vmem>>) dst(%dma_wait3A_190 : memref<4000xf32, #tpu.memory_space<hbm>>)
      %mul3A_191 = arith.constant 32 : i32
      %mul3A_192 = arith.muli %sub3A_96, %mul3A_191 : i32
      %add3A_193 = arith.addi %add3A, %mul3A_192 : i32
      %mul3A_194 = arith.constant 4000 : i32
      %mul3A_195 = arith.muli %add3A_193, %mul3A_194 : i32
      %dma_wait3A_196 = tpu.memref_slice %arg8[%mul3A_195] : memref<2000000xf32, #tpu.memory_space<hbm>> -> memref<4000xf32, #tpu.memory_space<hbm>>
      %dma_wait3A_197 = tpu.memref_slice %arg8[%mul3A_195] : memref<2000000xf32, #tpu.memory_space<hbm>> -> memref<4000xf32, #tpu.memory_space<hbm>>
      tpu.wait_dma2 semaphore(%arg37 : memref<!tpu.dma_semaphore, #tpu.memory_space<semaphore_mem>>) src(%arg29 : memref<4000xf32, #tpu.memory_space<vmem>>) dst(%dma_wait3A_197 : memref<4000xf32, #tpu.memory_space<hbm>>)
    } else {
    }
    %sub3A_101 = arith.constant 1 : i32
    %sub3A_102 = arith.subi %add3A_20, %sub3A_101 : i32
    %sub3A_103 = arith.constant 1 : i32
    %sub3A_104 = arith.subi %add3A_20, %sub3A_103 : i32
    %sub3A_105 = arith.constant 1 : i32
    %sub3A_106 = arith.subi %sub3A_104, %sub3A_105 : i32
    %jit3A_107 = arith.constant 4 : i32
    %eq3A_108 = arith.constant 0 : i32
    %eq3A_109 = arith.cmpi eq, %jit3A_107, %eq3A_108 : i32
    %jit3A_110 = arith.constant 1 : i32
    %select_n3A_111 = arith.select %eq3A_109, %jit3A_110, %jit3A_107 : i32
    %rem3A_112 = arith.remsi %sub3A_106, %select_n3A_111 : i32
    %ne3A_113 = arith.constant 0 : i32
    %ne3A_114 = arith.cmpi ne, %rem3A_112, %ne3A_113 : i32
    %lt3A_115 = arith.constant 0 : i32
    %lt3A_116 = arith.cmpi slt, %rem3A_112, %lt3A_115 : i32
    %lt3A_117 = arith.constant 0 : i32
    %lt3A_118 = arith.cmpi slt, %select_n3A_111, %lt3A_117 : i32
    %ne3A_119 = arith.xori %lt3A_116, %lt3A_118 : i1
    %and3A_120 = arith.andi %ne3A_119, %ne3A_114 : i1
    %add3A_121 = arith.addi %rem3A_112, %select_n3A_111 : i32
    %select_n3A_122 = arith.select %and3A_120, %add3A_121, %rem3A_112 : i32
    %sub3A_123 = arith.subi %sub3A_102, %select_n3A_122 : i32
    %ge3A_124 = arith.constant 0 : i32
    %ge3A_125 = arith.cmpi sge, %sub3A_123, %ge3A_124 : i32
    %convert_element_type3A_126 = arith.extui %ge3A_125 : i1 to i32
    %cond3A_127 = arith.constant 0 : i32
    %cond3A_128 = arith.cmpi ne, %convert_element_type3A_126, %cond3A_127 : i32
    scf.if %cond3A_128 {
      %mul3A_185 = arith.constant 32 : i32
      %mul3A_186 = arith.muli %sub3A_123, %mul3A_185 : i32
      %add3A_187 = arith.addi %add3A, %mul3A_186 : i32
      %mul3A_188 = arith.constant 4000 : i32
      %mul3A_189 = arith.muli %add3A_187, %mul3A_188 : i32
      %dma_wait3A = tpu.memref_slice %arg7[%mul3A_189] : memref<2000000xf32, #tpu.memory_space<hbm>> -> memref<4000xf32, #tpu.memory_space<hbm>>
      %dma_wait3A_190 = tpu.memref_slice %arg7[%mul3A_189] : memref<2000000xf32, #tpu.memory_space<hbm>> -> memref<4000xf32, #tpu.memory_space<hbm>>
      tpu.wait_dma2 semaphore(%arg38 : memref<!tpu.dma_semaphore, #tpu.memory_space<semaphore_mem>>) src(%arg26 : memref<4000xf32, #tpu.memory_space<vmem>>) dst(%dma_wait3A_190 : memref<4000xf32, #tpu.memory_space<hbm>>)
      %mul3A_191 = arith.constant 32 : i32
      %mul3A_192 = arith.muli %sub3A_123, %mul3A_191 : i32
      %add3A_193 = arith.addi %add3A, %mul3A_192 : i32
      %mul3A_194 = arith.constant 4000 : i32
      %mul3A_195 = arith.muli %add3A_193, %mul3A_194 : i32
      %dma_wait3A_196 = tpu.memref_slice %arg8[%mul3A_195] : memref<2000000xf32, #tpu.memory_space<hbm>> -> memref<4000xf32, #tpu.memory_space<hbm>>
      %dma_wait3A_197 = tpu.memref_slice %arg8[%mul3A_195] : memref<2000000xf32, #tpu.memory_space<hbm>> -> memref<4000xf32, #tpu.memory_space<hbm>>
      tpu.wait_dma2 semaphore(%arg38 : memref<!tpu.dma_semaphore, #tpu.memory_space<semaphore_mem>>) src(%arg30 : memref<4000xf32, #tpu.memory_space<vmem>>) dst(%dma_wait3A_197 : memref<4000xf32, #tpu.memory_space<hbm>>)
    } else {
    }
    %sub3A_129 = arith.constant 1 : i32
    %sub3A_130 = arith.subi %add3A_20, %sub3A_129 : i32
    %sub3A_131 = arith.constant 1 : i32
    %sub3A_132 = arith.subi %add3A_20, %sub3A_131 : i32
    %sub3A_133 = arith.constant 2 : i32
    %sub3A_134 = arith.subi %sub3A_132, %sub3A_133 : i32
    %jit3A_135 = arith.constant 4 : i32
    %eq3A_136 = arith.constant 0 : i32
    %eq3A_137 = arith.cmpi eq, %jit3A_135, %eq3A_136 : i32
    %jit3A_138 = arith.constant 1 : i32
    %select_n3A_139 = arith.select %eq3A_137, %jit3A_138, %jit3A_135 : i32
    %rem3A_140 = arith.remsi %sub3A_134, %select_n3A_139 : i32
    %ne3A_141 = arith.constant 0 : i32
    %ne3A_142 = arith.cmpi ne, %rem3A_140, %ne3A_141 : i32
    %lt3A_143 = arith.constant 0 : i32
    %lt3A_144 = arith.cmpi slt, %rem3A_140, %lt3A_143 : i32
    %lt3A_145 = arith.constant 0 : i32
    %lt3A_146 = arith.cmpi slt, %select_n3A_139, %lt3A_145 : i32
    %ne3A_147 = arith.xori %lt3A_144, %lt3A_146 : i1
    %and3A_148 = arith.andi %ne3A_147, %ne3A_142 : i1
    %add3A_149 = arith.addi %rem3A_140, %select_n3A_139 : i32
    %select_n3A_150 = arith.select %and3A_148, %add3A_149, %rem3A_140 : i32
    %sub3A_151 = arith.subi %sub3A_130, %select_n3A_150 : i32
    %ge3A_152 = arith.constant 0 : i32
    %ge3A_153 = arith.cmpi sge, %sub3A_151, %ge3A_152 : i32
    %convert_element_type3A_154 = arith.extui %ge3A_153 : i1 to i32
    %cond3A_155 = arith.constant 0 : i32
    %cond3A_156 = arith.cmpi ne, %convert_element_type3A_154, %cond3A_155 : i32
    scf.if %cond3A_156 {
      %mul3A_185 = arith.constant 32 : i32
      %mul3A_186 = arith.muli %sub3A_151, %mul3A_185 : i32
      %add3A_187 = arith.addi %add3A, %mul3A_186 : i32
      %mul3A_188 = arith.constant 4000 : i32
      %mul3A_189 = arith.muli %add3A_187, %mul3A_188 : i32
      %dma_wait3A = tpu.memref_slice %arg7[%mul3A_189] : memref<2000000xf32, #tpu.memory_space<hbm>> -> memref<4000xf32, #tpu.memory_space<hbm>>
      %dma_wait3A_190 = tpu.memref_slice %arg7[%mul3A_189] : memref<2000000xf32, #tpu.memory_space<hbm>> -> memref<4000xf32, #tpu.memory_space<hbm>>
      tpu.wait_dma2 semaphore(%arg39 : memref<!tpu.dma_semaphore, #tpu.memory_space<semaphore_mem>>) src(%arg27 : memref<4000xf32, #tpu.memory_space<vmem>>) dst(%dma_wait3A_190 : memref<4000xf32, #tpu.memory_space<hbm>>)
      %mul3A_191 = arith.constant 32 : i32
      %mul3A_192 = arith.muli %sub3A_151, %mul3A_191 : i32
      %add3A_193 = arith.addi %add3A, %mul3A_192 : i32
      %mul3A_194 = arith.constant 4000 : i32
      %mul3A_195 = arith.muli %add3A_193, %mul3A_194 : i32
      %dma_wait3A_196 = tpu.memref_slice %arg8[%mul3A_195] : memref<2000000xf32, #tpu.memory_space<hbm>> -> memref<4000xf32, #tpu.memory_space<hbm>>
      %dma_wait3A_197 = tpu.memref_slice %arg8[%mul3A_195] : memref<2000000xf32, #tpu.memory_space<hbm>> -> memref<4000xf32, #tpu.memory_space<hbm>>
      tpu.wait_dma2 semaphore(%arg39 : memref<!tpu.dma_semaphore, #tpu.memory_space<semaphore_mem>>) src(%arg31 : memref<4000xf32, #tpu.memory_space<vmem>>) dst(%dma_wait3A_197 : memref<4000xf32, #tpu.memory_space<hbm>>)
    } else {
    }
    %sub3A_157 = arith.constant 1 : i32
    %sub3A_158 = arith.subi %add3A_20, %sub3A_157 : i32
    %sub3A_159 = arith.constant 1 : i32
    %sub3A_160 = arith.subi %add3A_20, %sub3A_159 : i32
    %sub3A_161 = arith.constant 3 : i32
    %sub3A_162 = arith.subi %sub3A_160, %sub3A_161 : i32
    %jit3A_163 = arith.constant 4 : i32
    %eq3A_164 = arith.constant 0 : i32
    %eq3A_165 = arith.cmpi eq, %jit3A_163, %eq3A_164 : i32
    %jit3A_166 = arith.constant 1 : i32
    %select_n3A_167 = arith.select %eq3A_165, %jit3A_166, %jit3A_163 : i32
    %rem3A_168 = arith.remsi %sub3A_162, %select_n3A_167 : i32
    %ne3A_169 = arith.constant 0 : i32
    %ne3A_170 = arith.cmpi ne, %rem3A_168, %ne3A_169 : i32
    %lt3A_171 = arith.constant 0 : i32
    %lt3A_172 = arith.cmpi slt, %rem3A_168, %lt3A_171 : i32
    %lt3A_173 = arith.constant 0 : i32
    %lt3A_174 = arith.cmpi slt, %select_n3A_167, %lt3A_173 : i32
    %ne3A_175 = arith.xori %lt3A_172, %lt3A_174 : i1
    %and3A_176 = arith.andi %ne3A_175, %ne3A_170 : i1
    %add3A_177 = arith.addi %rem3A_168, %select_n3A_167 : i32
    %select_n3A_178 = arith.select %and3A_176, %add3A_177, %rem3A_168 : i32
    %sub3A_179 = arith.subi %sub3A_158, %select_n3A_178 : i32
    %ge3A_180 = arith.constant 0 : i32
    %ge3A_181 = arith.cmpi sge, %sub3A_179, %ge3A_180 : i32
    %convert_element_type3A_182 = arith.extui %ge3A_181 : i1 to i32
    %cond3A_183 = arith.constant 0 : i32
    %cond3A_184 = arith.cmpi ne, %convert_element_type3A_182, %cond3A_183 : i32
    scf.if %cond3A_184 {
      %mul3A_185 = arith.constant 32 : i32
      %mul3A_186 = arith.muli %sub3A_179, %mul3A_185 : i32
      %add3A_187 = arith.addi %add3A, %mul3A_186 : i32
      %mul3A_188 = arith.constant 4000 : i32
      %mul3A_189 = arith.muli %add3A_187, %mul3A_188 : i32
      %dma_wait3A = tpu.memref_slice %arg7[%mul3A_189] : memref<2000000xf32, #tpu.memory_space<hbm>> -> memref<4000xf32, #tpu.memory_space<hbm>>
      %dma_wait3A_190 = tpu.memref_slice %arg7[%mul3A_189] : memref<2000000xf32, #tpu.memory_space<hbm>> -> memref<4000xf32, #tpu.memory_space<hbm>>
      tpu.wait_dma2 semaphore(%arg40 : memref<!tpu.dma_semaphore, #tpu.memory_space<semaphore_mem>>) src(%arg28 : memref<4000xf32, #tpu.memory_space<vmem>>) dst(%dma_wait3A_190 : memref<4000xf32, #tpu.memory_space<hbm>>)
      %mul3A_191 = arith.constant 32 : i32
      %mul3A_192 = arith.muli %sub3A_179, %mul3A_191 : i32
      %add3A_193 = arith.addi %add3A, %mul3A_192 : i32
      %mul3A_194 = arith.constant 4000 : i32
      %mul3A_195 = arith.muli %add3A_193, %mul3A_194 : i32
      %dma_wait3A_196 = tpu.memref_slice %arg8[%mul3A_195] : memref<2000000xf32, #tpu.memory_space<hbm>> -> memref<4000xf32, #tpu.memory_space<hbm>>
      %dma_wait3A_197 = tpu.memref_slice %arg8[%mul3A_195] : memref<2000000xf32, #tpu.memory_space<hbm>> -> memref<4000xf32, #tpu.memory_space<hbm>>
      tpu.wait_dma2 semaphore(%arg40 : memref<!tpu.dma_semaphore, #tpu.memory_space<semaphore_mem>>) src(%arg32 : memref<4000xf32, #tpu.memory_space<vmem>>) dst(%dma_wait3A_197 : memref<4000xf32, #tpu.memory_space<hbm>>)
    } else {
    }
    return
  }
}

</mosaic_0001>

<sc_bundles>
// kernel: _sc_call.3.cloned.1.call-start
scs
__scs_entry_jumppad:
0x0: {  	(pc) =	sbr.rel $0x88, $3  }
0x1: {  	(tag) =	ssettag $0x0;
	lr =	simm.s32 $0x1  }
0x2: {  	[smem:$0x3F9C] =	sst lr;
	_ =	strace $0xD0000000  }
0x3: {  	_ = 	snop  }
0x4: {  	_ = 	snop  }
0x5: {  	_ = 	snop  }
0x6: {  	_ = 	snop  }
0x7: {  	_ = 	snop  }
__scs_overlays_trampoline_lowered:
0x8: {  	[smem:$0x3FAB] =	sst s0  }
0x9: {  	[smem:$0x3FAC] =	sst s1  }
0xa: {  	[smem:$0x3FAD] =	sst s2  }
0xb: {  	[smem:$0x3FAE] =	sst s3  }
0xc: {  	[smem:$0x3FAF] =	sst s4  }
0xd: {  	[smem:$0x3FB0] =	sst s5  }
0xe: {  	[smem:$0x3FB1] =	sst s6  }
0xf: {  	[smem:$0x3FB2] =	sst s7  }
0x10: {  	[smem:$0x3FB3] =	sst s8  }
0x11: {  	[smem:$0x3FB4] =	sst s9;
	s0 =	simm.s32 @!p0 $0x0  }
0x12: {  	s1 =	sld [smem:$0x3F9A];
	s0 =	simm.s32 @p0 $0x1  }
0x13: {  	[smem:$0x3FB5] =	sst s0;
	s0 =	simm.s32 @!p1 $0x0  }
0x14: {  	s2 =	sld [smem:$0x3F99];
	s0 =	simm.s32 @p1 $0x1  }
0x15: {  	[smem:$0x3FB6] =	sst s0;
	s0 =	simm.s32 @!p2 $0x0  }
0x16: {  	s3 =	sld [smem:$0x3FDB];
	s0 =	simm.s32 @p2 $0x1  }
0x17: {  	s4 =	simm.s32 $0x1BF5;
	[smem:$0x3FB8] =	sst s0  }
0x18: {  	s0 =	sld [smem:$0x3F9B];
	_ =	swait.ge [sflag:s4], $0x0  }
0x19: {  	s7 =	sld [smem:$0x3F9C]  }
0x1a: {  	s8 =	sadd.s32 $0xFFFFE003, lr  }
0x1b: {  	s9 =	sadd.s32 $0xFFFFFEF7, lr;
	s5 =	simm.s32 $0xFFFFFFFF;
	p2 =	slt.u32 s8, $0xFFFFF086  }
0x1c: {  	p1 =	slt.u32 s9, $0xF7A;
	s5 =	simm.s32 @!p2 $0x0  }
0x1d: {  	s5 =	simm.s32 @p1 $0x1;
	p0 =	seq.s32 s7, s2  }
0x1e: {  	s7 =	smul.u32 @!p0 $0xF7A, s2;
	p2 =	seq.s32 @!p0 s5, $0x0  }
0x1f: {  	s9 =	smul.u32 $0xF7A, s1;
	s8 =	simm.s32 @!p0 $0x1BF5;
	p2 =	por !p2, p0  }
0x20: {  	[sflag:s8] =	ssyncset.s32 @!p0 $0xFFFFF086;
	s6 =	sadd.s32 @!p0 s3, s7;
	s7 =	simm.s32 @!p0 $0x108  }
0x21: {  	s3 =	sadd.s32 s3, s9;
	s6 =	sadd.s32 @!p0 $0x88, s6;
	s7 =	simm.s32 @p2 $0x1082  }
0x22: {  	[simem:s7], [sflag:s8] =	dma.local @!p0 [hbm:s6], $0xF7A  }
0x23: {  	s9 =	sor.u32 $0xD0000000, s2;
	s6 =	simm.s32 $0x108;
	_ =	swait.ge @!p0 [sflag:s8], $0x0  }
0x24: {  	s3 =	sadd.s32 $0x88, s3;
	s6 =	simm.s32 @!p1 $0x1082;
	[sflag:s4] =	ssyncset.s32 $0xFFFFF086  }
0x25: {  	[simem:s6], [sflag:s4] =	dma.local [hbm:s3], $0xF7A  }
0x26: {  	[smem:$0x3F9C] =	sst s1;
	(tag) =	ssettag s2;
	_ =	strace s9  }
0x27: {  	s1 =	sld [smem:$0x3FAC]  }
0x28: {  	s2 =	sld [smem:$0x3FAD]  }
0x29: {  	s4 =	sld [smem:$0x3FAF]  }
0x2a: {  	p0 =	seq.s32 s5, $0x0;
	s5 =	sld [smem:$0x3FB0]  }
0x2b: {  	s6 =	sld [smem:$0x3FB1]  }
0x2c: {  	s7 =	sld [smem:$0x3FB2]  }
0x2d: {  	s3 =	simm.s32 $0x108;
	s8 =	sld [smem:$0x3FB3]  }
0x2e: {  	s3 =	simm.s32 @!p0 $0x1082;
	s9 =	sld [smem:$0x3FB4]  }
0x2f: {  	lr =	sadd.s32 s0, s3;
	s0 =	sld [smem:$0x3FAB]  }
0x30: {  	s3 =	sld [smem:$0x3FAE]  }
0x31: {  	[smem:$0x3FB7] =	sst s10  }
0x32: {  	s10 =	sld [smem:$0x3FB5];
	_ =	sdelay $0x3  }
0x33: {  	p0 =	seq.s32 s10, $0x1;
	s10 =	sld [smem:$0x3FB7];
	_ =	sdelay $0x3  }
0x34: {  	[smem:$0x3FB7] =	sst s10  }
0x35: {  	s10 =	sld [smem:$0x3FB6];
	_ =	sdelay $0x3  }
0x36: {  	p1 =	seq.s32 s10, $0x1;
	s10 =	sld [smem:$0x3FB7];
	_ =	sdelay $0x3  }
0x37: {  	[smem:$0x3FB7] =	sst s10  }
0x38: {  	s10 =	sld [smem:$0x3FB8]  }
0x39: {  	_ = 	snop;
	(pc) =	sbr.ind lr, $3  }
0x3a: {  	_ = 	snop  }
0x3b: {  	_ = 	snop  }
0x3c: {  	p2 =	seq.s32 s10, $0x1;
	s10 =	sld [smem:$0x3FB7]  }
0x3d: {  	_ =	shalt  }
0x3e: {  	_ =	shalt  }
0x3f: {  	_ =	shalt  }
0x40: {  	_ =	shalt  }
0x41: {  	_ =	shalt  }
0x42: {  	_ =	shalt  }
0x43: {  	_ =	shalt  }
0x44: {  	_ =	shalt  }
0x45: {  	_ =	shalt  }
0x46: {  	_ =	shalt  }
0x47: {  	_ =	shalt  }
0x48: {  	_ =	shalt  }
0x49: {  	_ =	shalt  }
0x4a: {  	_ =	shalt  }
0x4b: {  	_ =	shalt  }
0x4c: {  	_ =	shalt  }
0x4d: {  	_ =	shalt  }
0x4e: {  	_ =	shalt  }
0x4f: {  	_ =	shalt  }
0x50: {  	_ =	shalt  }
0x51: {  	_ =	shalt  }
0x52: {  	_ =	shalt  }
0x53: {  	_ =	shalt  }
0x54: {  	_ =	shalt  }
0x55: {  	_ =	shalt  }
0x56: {  	_ =	shalt  }
0x57: {  	_ =	shalt  }
0x58: {  	_ =	shalt  }
0x59: {  	_ =	shalt  }
0x5a: {  	_ =	shalt  }
0x5b: {  	_ =	shalt  }
0x5c: {  	_ =	shalt  }
0x5d: {  	_ =	shalt  }
0x5e: {  	_ =	shalt  }
0x5f: {  	_ =	shalt  }
0x60: {  	_ =	shalt  }
0x61: {  	_ =	shalt  }
0x62: {  	_ =	shalt  }
0x63: {  	_ =	shalt  }
0x64: {  	_ =	shalt  }
0x65: {  	_ =	shalt  }
0x66: {  	_ =	shalt  }
0x67: {  	_ =	shalt  }
0x68: {  	_ =	shalt  }
0x69: {  	_ =	shalt  }
0x6a: {  	_ =	shalt  }
0x6b: {  	_ =	shalt  }
0x6c: {  	_ =	shalt  }
0x6d: {  	_ =	shalt  }
0x6e: {  	_ =	shalt  }
0x6f: {  	_ =	shalt  }
0x70: {  	_ =	shalt  }
0x71: {  	_ =	shalt  }
0x72: {  	_ =	shalt  }
0x73: {  	_ =	shalt  }
0x74: {  	_ =	shalt  }
0x75: {  	_ =	shalt  }
0x76: {  	_ =	shalt  }
0x77: {  	_ =	shalt  }
0x78: {  	_ =	shalt  }
0x79: {  	_ =	shalt  }
0x7a: {  	_ =	shalt  }
0x7b: {  	_ =	shalt  }
0x7c: {  	_ =	shalt  }
0x7d: {  	_ =	shalt  }
0x7e: {  	_ =	shalt  }
0x7f: {  	_ =	shalt  }
0x80: {  	_ =	shalt  }
0x81: {  	_ =	shalt  }
0x82: {  	_ =	shalt  }
0x83: {  	_ =	shalt  }
0x84: {  	_ =	shalt  }
0x85: {  	_ =	shalt  }
0x86: {  	_ =	shalt  }
0x87: {  	_ =	shalt  }
.Lfunc_end0:
.L_simem_size_0:
called_computation_lowered:
.L_overlay_start_0:
0x88: {  	s2 =	sld [smem:$0x3FD9]  }
0x89: {  	s3 =	sld [smem:$0x3FFE];
	_ =	sdelay $0x1  }
0x8a: {  	s1 =	srdreg.scid  }
0x8b: {  	s0 =	sand.u32 $0x1, s1  }
0x8c: {  	s15 =	sshll.u32 s0, $0xA;
	s2 =	sadd.s32 s3, s2  }
0x8d: {  	s2 =	sadd.s32 s2, s15  }
0x8e: {  	[smem:$0x3FC3] =	sst s2  }
0x8f: {  	_ = 	snop  }
0x90: {  	s2 =	sld [smem:$0x3FC9]  }
0x91: {  	s16 =	sld [smem:$0x3FC8]  }
0x92: {  	s4 =	sld [smem:$0x3FD0]  }
0x93: {  	s5 =	sld [smem:$0x3FC7]  }
0x94: {  	s6 =	sld [smem:$0x3FC6]  }
0x95: {  	s8 =	simm.s32 $0xA;
	s9 =	simm.s32 $0x10;
	s7 =	sld [smem:$0x3FC5]  }
0x96: {  	[smem:s9], [sflag:s8] =	dma.local [hbm:s4], $0x1  }
0x97: {  	_ =	swait.eq [sflag:s8], $0x1  }
0x98: {  	[sflag:s8] =	ssyncset.done $0x0  }
0x99: {  	s17 =	sld [smem:$0x10];
	[sflag:s8] =	ssyncadd.s32 $0xFFFFFFFF  }
0x9a: {  	s18 =	sld [smem:$0x11];
	(tm) =	ssettm $0x1  }
0x9b: {  	s19 =	sld [smem:$0x3FFB];
	_ =	sdelay $0x3  }
0x9c: {  	_ =	strace s19  }
0x9d: {  	s9 =	sld [smem:$0x3FFC];
	_ =	sdelay $0x3  }
0x9e: {  	_ =	strace s9  }
0x9f: {  	s9 =	sld [smem:$0x3FFD];
	_ =	sdelay $0x3  }
0xa0: {  	_ =	strace s9  }
0xa1: {  	_ =	strace $0x8FFFFFFF  }
0xa2: {  	s20 =	sld [smem:$0x3FDB];
	_ =	sdelay $0x1  }
0xa3: {  	s10 =	simm.s32 $_scs_section_size  }
0xa4: {  	s11 =	simm.s32 $_size__tile_overlayer_lowered;
	s12 =	simm.s32 $_tile_overlayer_lowered  }
0xa5: {  	s23 =	simm.s32 $0x1BFF;
	s22 =	sshll.u32 s12, $0x1;
	s9 =	sadd.s32 s10, s20  }
0xa6: {  	s13 =	simm.s32 $0x0;
	s21 =	sshll.u32 s11, $0x1;
	s11 =	sadd.s32 s22, s9  }
0xa7: {  	[timem:s13], [sflag:s23] =	dma.local [hbm:s11], s21  }
0xa8: {  	_ =	swait.ge [sflag:s23], s21  }
0xa9: {  	s10 =	ssub.s32 $0x0, s21;
	[sflag:s23] =	ssyncset.done $0x0  }
0xaa: {  	[sflag:s23] =	ssyncadd.s32 s10;
	_ =	sdelay $0x1  }
0xab: {  	s24 =	simm.s32 $0x1B8B  }
0xac: {  	_ =	swait.ge [sflag:s24], $0x1  }
0xad: {  	[sflag:s24] =	ssyncset.done $0x0  }
0xae: {  	s25 =	simm.s32 $0x1B8E;
	[sflag:s24] =	ssyncadd.s32 $0xFFFFFFFF  }
0xaf: {  	s26 =	simm.s32 $execute0_lowered;
	[smem:$0x3FD2] =	sst s25  }
0xb0: {  	s10 =	sshll.u32 s26, $0x1;
	_ =	strace $0x80000046;
	[dreg:$0x1] =	wrdreg $0xFFFFFFFF  }
0xb1: {  	s28 =	simm.s32 $_size_execute0_lowered;
	s9 =	sadd.s32 s9, s10;
	[dreg:$0x0] =	wrdreg $0x0  }
0xb2: {  	s10 =	sshll.u32 s28, $0x1;
	[dreg:$0x2] =	wrdreg s9  }
0xb3: {  	[dreg:$0x3] =	wrdreg s10  }
0xb4: {  	[dreg:$0x4] =	wrdreg $0xC0  }
0xb5: {  	_ =	task [dreg:s13], $0x5FFFF  }
0xb6: {  	[dreg:$0x1] =	wrdreg $0xFFFFFFFF  }
0xb7: {  	[dreg:$0x0] =	wrdreg $0x60  }
0xb8: {  	[dreg:$0x2] =	wrdreg s2  }
0xb9: {  	[dreg:$0x3] =	wrdreg s16  }
0xba: {  	[dreg:$0x4] =	wrdreg s5  }
0xbb: {  	[dreg:$0x5] =	wrdreg s6  }
0xbc: {  	[dreg:$0x6] =	wrdreg s7  }
0xbd: {  	[dreg:$0x7] =	wrdreg s17  }
0xbe: {  	[dreg:$0x8] =	wrdreg s18  }
0xbf: {  	[dreg:$0x9] =	wrdreg $0x18A000  }
0xc0: {  	[dreg:$0xa] =	wrdreg $0x18C000  }
0xc1: {  	[dreg:$0xb] =	wrdreg $0x188000  }
0xc2: {  	[dreg:$0xc] =	wrdreg $0x9  }
0xc3: {  	_ =	task.clear_ibuf [dreg:s13], $0xDFFFF;
	_ =	strace $0x90000046  }
0xc4: {  	s29 =	simm.s32 $0x9;
	_ =	strace $0x80000048  }
0xc5: {  	_ =	swait.ge [sflag:s29], $0x1  }
0xc6: {  	[sflag:s29] =	ssyncadd.s32 $0xFFFFFFFF  }
0xc7: {  	_ =	strace $0x90000048  }
0xc8: {  	_ =	sfence  }
0xc9: {  	s30 =	sld [smem:$0x0];
	_ =	sdelay $0x2  }
0xca: {  	s31 =	sshll.u32 s1, $0xD;
	s1 =	sshrl.u32 s1, $0x2  }
0xcb: {  	s3 =	sand.u32 $0x4000, s31;
	s1 =	sadd.s32 s1, s30  }
0xcc: {  	s0 =	sor.u32 s3, s0;
	s1 =	sshll.u32 s1, $0x11  }
0xcd: {  	s0 =	sor.u32 s1, s0  }
0xce: {  	s0 =	sadd.s32 $0x8F2B, s0  }
0xcf: {  	[sflag:s0] =	ssyncadd.remote.s32 $0x1  }
0xd0: {  	_ =	sfence.sel $0xFFFF  }
0xd1: {  	[dreg:$0x0] =	wrdreg $0xFFFFFFFF;
	(pc) =	sbr.abs _section_cstart, $3  }
0xd2: {  	[dreg:$0x1] =	wrdreg $0xFFFFFFFF  }
0xd3: {  	_ =	task.clear_ibuf [dreg:s13], $0x2FFFF;
	_ =	strace $0x9FFFFFFF  }
0xd4: {  	(tm) =	ssettm $0x7FFFFFFF  }
0xd5: {  	_ =	shalt  }
tec
execute0_lowered:
.L_overlay_start_1:
0x0: {  	(tag) =	ssettag $0x1  }
0x1: {  	s0 =	rddreg [dreg:$0x0]  }
0x2: {  	s1 =	rddreg [dreg:$0x1]  }
0x3: {  	s2 =	rddreg [dreg:$0x3]  }
0x4: {  	s3 =	rddreg [dreg:$0x4]  }
0x5: {  	s4 =	rddreg [dreg:$0x5]  }
0x6: {  	s5 =	rddreg [dreg:$0x6]  }
0x7: {  	s14 =	rddreg [dreg:$0x7]  }
0x8: {  	s15 =	rddreg [dreg:$0x8]  }
0x9: {  	s17 =	rddreg [dreg:$0x9]  }
0xa: {  	s6 =	srdreg.scid;
	s16 =	stileid.u32  }
0xb: {  	s10 =	simm.s32 $0x0;
	s28 =	simm.s32 $0x8600;
	s6 =	sand.u32 $0x1, s6  }
0xc: {  	s7 =	sshll.u32 s16, $0x1;
	[smem:$0x7FF] =	sst s10;
	s23 =	sshll.u32 s16, $0x6  }
0xd: {  	p0 =	seq.s32 s16, $0x0;
	s29 =	sshll.u32 s16, $0x5;
	s11 =	sor.u32 s6, s7  }
0xe: {  	_ =	strace $0x80000047;
	s6 =	ssub.s32 $0x2, s6;
	s3 =	sadd.s32 s3, s23  }
0xf: {  	s2 =	sadd.s32 s2, s23;
	[dreg:$0x18] =	wrdreg s29;
	s7 =	smul.u32 $0xFA0, s11  }
0x10: {  	s8 =	sshrl.u32 s6, $0x1;
	s13 =	smul.u32 $0x1F4, s11;
	[dreg:$0x13] =	wrdreg s3  }
0x11: {  	s9 =	ssub.s32 $0x1F3, s11;
	[dreg:$0x14] =	wrdreg s2;
	s30 =	sor.u32 $0x20, s11  }
0x12: {  	s6 =	ssub.s32 s6, s8;
	s12 =	sshrl.u32 s9, $0x5;
	s9 =	sadd.s32 s1, s13  }
0x13: {  	s7 =	sshrl.u32 s7, $0x3;
	s13 =	sadd.s32 s0, s13;
	[dreg:$0xb] =	wrdreg s9  }
0x14: {  	s25 =	smax.u32 s6, $0x1;
	[dreg:$0xc] =	wrdreg s13;
	s18 =	sadd.s32 $0x3E80, s7  }
0x15: {  	s3 =	simm.s32 $0x1;
	[dreg:$0x16] =	wrdreg s25;
	s19 =	sadd.s32 s1, s18  }
0x16: {  	s20 =	sadd.s32 $0x7D00, s7;
	s8 =	sadd.s32 s0, s18;
	[dreg:$0xd] =	wrdreg s19  }
0x17: {  	s7 =	sadd.s32 $0xBB80, s7;
	s21 =	sadd.s32 s1, s20;
	[dreg:$0xe] =	wrdreg s8  }
0x18: {  	s13 =	simm.s32 $0x9;
	s22 =	sadd.s32 s1, s7;
	[dreg:$0xf] =	wrdreg s21  }
0x19: {  	s9 =	simm.s32 $0x4000;
	s7 =	sadd.s32 s0, s7;
	[dreg:$0x11] =	wrdreg s22  }
0x1a: {  	s18 =	simm.s32 $0x12800;
	s8 =	sadd.s32 s0, s20;
	[dreg:$0x12] =	wrdreg s7  }
0x1b: {  	s21 =	sshll.u32 s16, $0x9;
	s7 =	simm.s32 $0x2000;
	s16 =	simm.s32 $0x15800  }
.Ltmp0:
0x1c: {  	s19 =	simm.s32 $0x0;
	[dreg:$0x10] =	wrdreg s8;
	(pc) =	sbr.rel .LBB2_1-.Ltmp0, $4  }
0x1d: {  	s24 =	sadd.s32 s21, s14;
	s26 =	sadd.s32 s21, s15;
	s31 =	sadd.s32 s21, s17  }
0x1e: {  	s14 =	simm.s32 $0x2;
	s15 =	simm.s32 $0x11800;
	[dreg:$0x15] =	wrdreg s24  }
0x1f: {  	s17 =	simm.s32 $0x3;
	s8 =	simm.s32 $0x16800;
	[dreg:$0x17] =	wrdreg s26  }
0x20: {  	[dreg:$0x19] =	wrdreg s31;
	s26 =	simm.s32 $0x8400;
	s24 =	simm.s32 $0x4  }
.LBB2_21:
0x21: {  	s2 =	simm.s32 $0x5  }
0x22: {  	_ =	swait.ge [sflag:s2], $0xFA0  }
0x23: {  	[sflag:s2] =	ssyncset.done $0x0  }
0x24: {  	[sflag:s2] =	ssyncadd.s32 $0xFFFFF060  }
0x25: {  	_ =	swait.ge [sflag:s2], $0xFA0  }
0x26: {  	[sflag:s2] =	ssyncset.done $0x0  }
0x27: {  	s26 =	simm.s32 $0x6;
	[sflag:s2] =	ssyncadd.s32 $0xFFFFF060  }
0x28: {  	_ =	swait.ge [sflag:s26], $0xFA0  }
0x29: {  	[sflag:s26] =	ssyncset.done $0x0  }
0x2a: {  	[sflag:s26] =	ssyncadd.s32 $0xFFFFF060  }
0x2b: {  	_ =	swait.ge [sflag:s26], $0xFA0  }
0x2c: {  	[sflag:s26] =	ssyncset.done $0x0  }
0x2d: {  	s29 =	simm.s32 $0x7;
	[sflag:s26] =	ssyncadd.s32 $0xFFFFF060  }
0x2e: {  	_ =	swait.ge [sflag:s29], $0xFA0  }
0x2f: {  	[sflag:s29] =	ssyncset.done $0x0  }
0x30: {  	[sflag:s29] =	ssyncadd.s32 $0xFFFFF060  }
0x31: {  	_ =	swait.ge [sflag:s29], $0xFA0  }
0x32: {  	[sflag:s29] =	ssyncset.done $0x0  }
0x33: {  	s6 =	simm.s32 $0x8;
	[sflag:s29] =	ssyncadd.s32 $0xFFFFF060  }
0x34: {  	_ =	swait.ge [sflag:s6], $0xFA0  }
0x35: {  	[sflag:s6] =	ssyncset.done $0x0  }
0x36: {  	[sflag:s6] =	ssyncadd.s32 $0xFFFFF060  }
0x37: {  	_ =	swait.ge [sflag:s6], $0xFA0  }
0x38: {  	s19 =	rddreg [dreg:$0x1a]  }
0x39: {  	s31 =	rddreg [dreg:$0x16];
	s19 =	sadd.s32 $0x1, s19  }
0x3a: {  	p1 =	sne.s32 s19, s31  }
.Ltmp1:
0x3b: {  	_ = 	snop;
	(pc) =	sbr.rel @!p1 .LBB2_22-.Ltmp1, $3  }
0x3c: {  	_ =	sdelay $0x1  }
0x3d: {  	s13 =	simm.s32 $0x9;
	[sflag:s6] =	ssyncset.done $0x0  }
0x3e: {  	s28 =	simm.s32 $0x8600;
	s26 =	simm.s32 $0x8400;
	[sflag:s6] =	ssyncadd.s32 $0xFFFFF060  }
.LBB2_1:
0x3f: {  	[dreg:$0x1a] =	wrdreg s19  }
0x40: {  	s2 =	rddreg [dreg:$0xb];
	s6 =	simm.s32 $0x8800  }
0x41: {  	[tilespmem:s6], [sflag:$0x1] =	stream.linear.gather [hbm4b:s2+s10], $0xFA0, $0x38;
	[tilespmem:$0x18E00] =	vst v63  }
0x42: {  	s20 =	rddreg [dreg:$0xc];
	s22 =	simm.s32 $0xC800  }
0x43: {  	[tilespmem:s22], [sflag:$0x1] =	stream.linear.gather [hbm4b:s20+s10], $0xFA0, $0x38;
	[tilespmem:$0x18E00] =	vst v63  }
0x44: {  	s23 =	rddreg [dreg:$0xd];
	s25 =	simm.s32 $0x9800  }
0x45: {  	[tilespmem:s25], [sflag:$0x2] =	stream.linear.gather [hbm4b:s23+s10], $0xFA0, $0x38;
	[tilespmem:$0x18E00] =	vst v63  }
0x46: {  	s29 =	rddreg [dreg:$0xe];
	s31 =	simm.s32 $0xD800  }
0x47: {  	[tilespmem:s31], [sflag:$0x2] =	stream.linear.gather [hbm4b:s29+s10], $0xFA0, $0x38;
	[tilespmem:$0x18E00] =	vst v63  }
0x48: {  	s19 =	simm.s32 $0xA800;
	s6 =	rddreg [dreg:$0xf]  }
0x49: {  	[tilespmem:s19], [sflag:$0x3] =	stream.linear.gather [hbm4b:s6+s10], $0xFA0, $0x38;
	[tilespmem:$0x18E00] =	vst v63  }
0x4a: {  	s20 =	rddreg [dreg:$0x10];
	s22 =	simm.s32 $0xE800  }
0x4b: {  	[tilespmem:s22], [sflag:$0x3] =	stream.linear.gather [hbm4b:s20+s10], $0xFA0, $0x38;
	[tilespmem:$0x18E00] =	vst v63  }
0x4c: {  	s23 =	rddreg [dreg:$0x11];
	s25 =	simm.s32 $0xB800  }
0x4d: {  	[tilespmem:s25], [sflag:$0x4] =	stream.linear.gather [hbm4b:s23+s10], $0xFA0, $0x38;
	[tilespmem:$0x18E00] =	vst v63  }
0x4e: {  	s29 =	rddreg [dreg:$0x12];
	s31 =	simm.s32 $0xF800  }
0x4f: {  	[tilespmem:s31], [sflag:$0x4] =	stream.linear.gather [hbm4b:s29+s10], $0xFA0, $0x38;
	[tilespmem:$0x18E00] =	vst v63  }
0x50: {  	s6 =	rddreg [dreg:$0x2]  }
0x51: {  	[tilespmem:s10], [sflag:$0x9] =	stream.linear.gather [hbm4b:s6+s10], $0x2000, $0x38;
	[tilespmem:$0x18E00] =	vst v63  }
0x52: {  	_ =	swait.ge [sflag:s13], $0x2000  }
0x53: {  	[sflag:s13] =	ssyncset.done $0x0  }
0x54: {  	s19 =	rddreg [dreg:$0x13];
	[sflag:s13] =	ssyncadd.s32 $0xFFFFE000  }
0x55: {  	[tilespmem:s28], [sflag:$0x9] =	stream.linear.gather [hbm4b:s19+s10], $0x200, $0x38;
	[tilespmem:$0x18E00] =	vst v63  }
0x56: {  	_ =	swait.ge [sflag:s13], $0x200  }
0x57: {  	[sflag:s13] =	ssyncset.done $0x0  }
0x58: {  	s22 =	simm.s32 $0x8000;
	s20 =	rddreg [dreg:$0x14];
	[sflag:s13] =	ssyncadd.s32 $0xFFFFFE00  }
0x59: {  	[tilespmem:s22], [sflag:$0x9] =	stream.linear.gather [hbm4b:s20+s10], $0x200, $0x38;
	[tilespmem:$0x18E00] =	vst v63  }
0x5a: {  	s23 =	sand.u32 $0x180, s10;
	_ =	swait.ge [sflag:s13], $0x200  }
0x5b: {  	s25 =	sand.u32 $0x70, s10;
	s2 =	sadd.s32 s23, s21;
	[sflag:s13] =	ssyncset.done $0x0  }
0x5c: {  	s2 =	sadd.s32 s25, s2;
	[sflag:s13] =	ssyncadd.s32 $0xFFFFFE00  }
0x5d: {  	v0 =	vld [tilespmem:s2+$0x0];
	_ =	sdelay $0x4  }
0x5e: {  	v1 =	vmul.f32 $1.442695020e+00, v0;
	_ =	sdelay $0x1  }
0x5f: {  	v1 =	vtrunc.f32 v1  }
0x60: {  	v1 =	vcvt.f32.s32 v1;
	_ =	sdelay $0x1  }
0x61: {  	v2 =	vcvt.s32.f32 v1;
	_ =	sdelay $0x1  }
0x62: {  	v3 =	vmul.f32 $-6.933593750e-01, v2;
	_ =	sdelay $0x1  }
0x63: {  	v2 =	vmul.f32 $2.121944420e-04, v2;
	v0 =	vadd.f32 v3, v0;
	_ =	sdelay $0x1  }
0x64: {  	v0 =	vadd.f32 v2, v0;
	_ =	sdelay $0x1  }
0x65: {  	v2 =	vmul.f32 $2.755731880e-06, v0;
	_ =	sdelay $0x1  }
0x66: {  	v2 =	vadd.f32 $2.480158760e-05, v2;
	_ =	sdelay $0x1  }
0x67: {  	v2 =	vmul.f32 v2, v0;
	_ =	sdelay $0x1  }
0x68: {  	v2 =	vadd.f32 $1.984127010e-04, v2;
	_ =	sdelay $0x1  }
0x69: {  	v2 =	vmul.f32 v2, v0;
	_ =	sdelay $0x1  }
0x6a: {  	v2 =	vadd.f32 $1.388888920e-03, v2;
	_ =	sdelay $0x1  }
0x6b: {  	v2 =	vmul.f32 v2, v0;
	_ =	sdelay $0x1  }
0x6c: {  	v2 =	vadd.f32 $8.333333770e-03, v2;
	_ =	sdelay $0x1  }
0x6d: {  	v2 =	vmul.f32 v2, v0;
	_ =	sdelay $0x1  }
0x6e: {  	v2 =	vadd.f32 $4.166666790e-02, v2;
	_ =	sdelay $0x1  }
0x6f: {  	v2 =	vmul.f32 v2, v0;
	_ =	sdelay $0x1  }
0x70: {  	v2 =	vadd.f32 $1.666666720e-01, v2;
	_ =	sdelay $0x1  }
0x71: {  	v2 =	vmul.f32 v2, v0;
	_ =	sdelay $0x1  }
0x72: {  	v2 =	vadd.f32 $5.000000000e-01, v2;
	_ =	sdelay $0x1  }
0x73: {  	v2 =	vmul.f32 v2, v0;
	_ =	sdelay $0x1  }
0x74: {  	v2 =	vadd.f32 $1.000000000e+00, v2;
	_ =	sdelay $0x1  }
0x75: {  	v0 =	vmul.f32 v2, v0;
	_ =	sdelay $0x1  }
0x76: {  	v1 =	vshll.u32 v1, $0x17;
	v0 =	vadd.f32 $1.000000000e+00, v0  }
0x77: {  	v1 =	vadd.s32 $0x3F800000, v1  }
0x78: {  	v0 =	vmul.f32 v1, v0;
	_ =	sdelay $0x1  }
0x79: {  	[tilespmem:s26+$0x0] =	vst v0  }
0x7a: {  	v1 =	vld [tilespmem:s28+$0x0];
	_ =	sdelay $0x1  }
0x7b: {  	s29 =	simm.s32 $0x10  }
0x7c: {  	s31 =	sand.u32 $0x180, s29  }
0x7d: {  	s23 =	simm.s32 $0x20;
	s25 =	sadd.s32 s31, s21;
	s6 =	simm.s32 $0x8610  }
0x7e: {  	s19 =	simm.s32 $0x8600;
	s22 =	sand.u32 $0x70, s29;
	s2 =	simm.s32 $0x8400;
	v0 =	vmul.f32 v0, v1  }
.LBB2_2:
0x7f: {  	s25 =	sadd.s32 s22, s25;
	s2 =	sadd.s32 $0x10, s2  }
0x80: {  	[tilespmem:s19+$0x0] =	vst v0;
	s22 =	smov.u32 s23;
	s20 =	sadd.s32 $0x10, s23;
	s19 =	smov.u32 s6  }
0x81: {  	p1 =	sne.s32 s23, $0x1F0;
	v0 =	vld [tilespmem:s25+$0x0];
	_ =	sdelay $0x4  }
0x82: {  	v1 =	vmul.f32 $1.442695020e+00, v0;
	_ =	sdelay $0x1  }
0x83: {  	v1 =	vtrunc.f32 v1  }
0x84: {  	v1 =	vcvt.f32.s32 v1;
	_ =	sdelay $0x1  }
0x85: {  	v2 =	vcvt.s32.f32 v1;
	v1 =	vshll.u32 v1, $0x17;
	_ =	sdelay $0x1  }
0x86: {  	v3 =	vmul.f32 $-6.933593750e-01, v2;
	_ =	sdelay $0x1  }
0x87: {  	v2 =	vmul.f32 $2.121944420e-04, v2;
	v0 =	vadd.f32 v3, v0;
	_ =	sdelay $0x1  }
0x88: {  	v0 =	vadd.f32 v2, v0;
	_ =	sdelay $0x1  }
0x89: {  	v2 =	vmul.f32 $2.755731880e-06, v0;
	_ =	sdelay $0x1  }
0x8a: {  	v2 =	vadd.f32 $2.480158760e-05, v2;
	_ =	sdelay $0x1  }
0x8b: {  	v2 =	vmul.f32 v2, v0;
	_ =	sdelay $0x1  }
0x8c: {  	v2 =	vadd.f32 $1.984127010e-04, v2;
	_ =	sdelay $0x1  }
0x8d: {  	v2 =	vmul.f32 v2, v0;
	_ =	sdelay $0x1  }
0x8e: {  	v2 =	vadd.f32 $1.388888920e-03, v2;
	_ =	sdelay $0x1  }
0x8f: {  	v2 =	vmul.f32 v2, v0;
	_ =	sdelay $0x1  }
0x90: {  	v2 =	vadd.f32 $8.333333770e-03, v2;
	_ =	sdelay $0x1  }
0x91: {  	v2 =	vmul.f32 v2, v0;
	_ =	sdelay $0x1  }
0x92: {  	v2 =	vadd.f32 $4.166666790e-02, v2;
	_ =	sdelay $0x1  }
0x93: {  	v2 =	vmul.f32 v2, v0;
	_ =	sdelay $0x1  }
0x94: {  	v2 =	vadd.f32 $1.666666720e-01, v2;
	_ =	sdelay $0x1  }
0x95: {  	v2 =	vmul.f32 v2, v0;
	_ =	sdelay $0x1  }
0x96: {  	v2 =	vadd.f32 $5.000000000e-01, v2;
	_ =	sdelay $0x1  }
0x97: {  	v2 =	vmul.f32 v2, v0;
	_ =	sdelay $0x1  }
0x98: {  	v2 =	vadd.f32 $1.000000000e+00, v2;
	_ =	sdelay $0x1  }
0x99: {  	v0 =	vmul.f32 v2, v0;
	_ =	sdelay $0x1  }
0x9a: {  	v0 =	vadd.f32 $1.000000000e+00, v0  }
0x9b: {  	v1 =	vadd.s32 $0x3F800000, v1  }
0x9c: {  	v0 =	vmul.f32 v1, v0;
	_ =	sdelay $0x1  }
0x9d: {  	[tilespmem:s2+$0x0] =	vst v0  }
0x9e: {  	v1 =	vld [tilespmem:s6+$0x0];
	_ =	sdelay $0x1  }
.Ltmp2:
0x9f: {  	(pc) =	sbr.rel @p1 .LBB2_2-.Ltmp2, $3  }
0xa0: {  	_ =	sdelay $0x1  }
0xa1: {  	s23 =	sand.u32 $0x180, s22;
	s22 =	sand.u32 $0x70, s22;
	v0 =	vmul.f32 v0, v1  }
0xa2: {  	s25 =	sadd.s32 s23, s21;
	s23 =	smov.u32 s20;
	s6 =	sadd.s32 $0x10, s6  }
0xa3: {  	s20 =	sadd.s32 s22, s25;
	[tilespmem:s19+$0x0] =	vst v0  }
0xa4: {  	v0 =	vld [tilespmem:s20+$0x0];
	_ =	sdelay $0x4  }
0xa5: {  	v1 =	vmul.f32 $1.442695020e+00, v0;
	_ =	sdelay $0x1  }
0xa6: {  	v1 =	vtrunc.f32 v1  }
0xa7: {  	v1 =	vcvt.f32.s32 v1;
	_ =	sdelay $0x1  }
0xa8: {  	v2 =	vcvt.s32.f32 v1;
	_ =	sdelay $0x1  }
0xa9: {  	v3 =	vmul.f32 $-6.933593750e-01, v2;
	_ =	sdelay $0x1  }
0xaa: {  	v2 =	vmul.f32 $2.121944420e-04, v2;
	v0 =	vadd.f32 v3, v0;
	_ =	sdelay $0x1  }
0xab: {  	v0 =	vadd.f32 v2, v0;
	_ =	sdelay $0x1  }
0xac: {  	v2 =	vmul.f32 $2.755731880e-06, v0;
	_ =	sdelay $0x1  }
0xad: {  	v2 =	vadd.f32 $2.480158760e-05, v2;
	_ =	sdelay $0x1  }
0xae: {  	v2 =	vmul.f32 v2, v0;
	_ =	sdelay $0x1  }
0xaf: {  	v2 =	vadd.f32 $1.984127010e-04, v2;
	_ =	sdelay $0x1  }
0xb0: {  	v2 =	vmul.f32 v2, v0;
	_ =	sdelay $0x1  }
0xb1: {  	v2 =	vadd.f32 $1.388888920e-03, v2;
	_ =	sdelay $0x1  }
0xb2: {  	v2 =	vmul.f32 v2, v0;
	_ =	sdelay $0x1  }
0xb3: {  	v2 =	vadd.f32 $8.333333770e-03, v2;
	_ =	sdelay $0x1  }
0xb4: {  	v2 =	vmul.f32 v2, v0;
	_ =	sdelay $0x1  }
0xb5: {  	v2 =	vadd.f32 $4.166666790e-02, v2;
	_ =	sdelay $0x1  }
0xb6: {  	v2 =	vmul.f32 v2, v0;
	_ =	sdelay $0x1  }
0xb7: {  	v2 =	vadd.f32 $1.666666720e-01, v2;
	_ =	sdelay $0x1  }
0xb8: {  	v2 =	vmul.f32 v2, v0;
	_ =	sdelay $0x1  }
0xb9: {  	v2 =	vadd.f32 $5.000000000e-01, v2;
	_ =	sdelay $0x1  }
0xba: {  	v2 =	vmul.f32 v2, v0;
	_ =	sdelay $0x1  }
0xbb: {  	v2 =	vadd.f32 $1.000000000e+00, v2;
	_ =	sdelay $0x1  }
0xbc: {  	v0 =	vmul.f32 v2, v0;
	_ =	sdelay $0x1  }
0xbd: {  	v1 =	vshll.u32 v1, $0x17;
	v0 =	vadd.f32 $1.000000000e+00, v0  }
0xbe: {  	v1 =	vadd.s32 $0x3F800000, v1  }
0xbf: {  	v0 =	vmul.f32 v1, v0  }
0xc0: {  	s2 =	sadd.s32 $0x10, s2  }
0xc1: {  	[tilespmem:s2+$0x0] =	vst v0  }
0xc2: {  	v1 =	vld [tilespmem:s6+$0x0];
	_ =	sdelay $0x4  }
0xc3: {  	v0 =	vmul.f32 v0, v1;
	_ =	sdelay $0x1  }
0xc4: {  	s25 =	rddreg [dreg:$0x15];
	[tilespmem:s6+$0x0] =	vst v0  }
0xc5: {  	[spmem:s25] =	stream.linear.scatter [tilespmem:s26], [sflag:$0x9], $0x200, $0x38;
	[tilespmem:$0x18E00] =	vst v63  }
0xc6: {  	_ =	swait.ge [sflag:s13], $0x200  }
0xc7: {  	[sflag:s13] =	ssyncset.done $0x0  }
0xc8: {  	s29 =	rddreg [dreg:$0x17];
	[sflag:s13] =	ssyncadd.s32 $0xFFFFFE00  }
0xc9: {  	[spmem:s29] =	stream.linear.scatter [tilespmem:s28], [sflag:$0x9], $0x200, $0x38;
	[tilespmem:$0x18E00] =	vst v63  }
0xca: {  	_ =	swait.ge [sflag:s13], $0x200  }
0xcb: {  	[sflag:s13] =	ssyncset.done $0x0  }
0xcc: {  	[sflag:s13] =	ssyncadd.s32 $0xFFFFFE00  }
0xcd: {  	[bflag:$0x0] =	sbarrier.arrive $0xFFFF  }
.Ltmp3:
0xce: {  	s2 =	simm.s32 $0x6000;
	s31 =	rddreg [dreg:$0x8];
	(pc) =	sbr.rel @p0 .LBB2_7-.Ltmp3, $4  }
0xcf: {  	[tilespmem:s2], [sflag:$0x9] =	stream.linear.gather [spmem:s31], $0x2000, $0x38;
	[tilespmem:$0x18E00] =	vst v63  }
0xd0: {  	_ =	swait.ge [sflag:s13], $0x2000  }
0xd1: {  	[sflag:s13] =	ssyncset.done $0x0  }
0xd2: {  	v0 =	vimm.f32 $0.0e+00;
	[sflag:s13] =	ssyncadd.s32 $0xFFFFE000  }
0xd3: {  	s6 =	rddreg [dreg:$0x18]  }
0xd4: {  	p1 =	sne.s32 s6, $0x1  }
.Ltmp4:
0xd5: {  	_ = 	snop;
	(pc) =	sbr.rel @!p1 .LBB2_6-.Ltmp4, $2  }
0xd6: {  	_ =	sdelay $0x2  }
0xd7: {  	v1 =	vld [tilespmem:s2+$0x0];
	s6 =	sadd.s32 $0xFFFFFFFF, s6  }
.LBB2_5:
0xd8: {  	p1 =	sne.s32 s6, $0x1  }
.Ltmp5:
0xd9: {  	_ = 	snop;
	(pc) =	sbr.rel @p1 .LBB2_5-.Ltmp5, $3  }
0xda: {  	_ =	sdelay $0x1  }
0xdb: {  	s6 =	sadd.s32 $0xFFFFFFFF, s6;
	s2 =	sadd.s32 $0x10, s2;
	v0 =	vadd.f32 v1, v0  }
0xdc: {  	v1 =	vld [tilespmem:s2+$0x0]  }
.LBB2_6:
0xdd: {  	_ =	sdelay $0x3  }
0xde: {  	v0 =	vadd.f32 v1, v0  }
.LBB2_7:
0xdf: {  	_ = 	snop  }
0xe0: {  	(xrf2) =	vadd.scan.msk.f32 $0xffff, v0;
	_ =	sdelay $0x6  }
0xe1: {  	s19 =	simm.s32 $0x0  }
0xe2: {  	v2 =	vld [tilespmem:s19+$0x8600]  }
0xe3: {  	s2 =	simm.s32 $0x10  }
0xe4: {  	s6 =	simm.s32 $0x20;
	v0 =	vld [tilespmem:s2+$0x8600];
	v1, _, _ =	vpop (xrf2)  }
0xe5: {  	(v2sf) =	vpush v1, $0xF;
	v1 =	vld [tilespmem:s6+$0x8600];
	_ =	sdelay $0x1  }
0xe6: {  	(xrf2) =	vadd.scan.msk.f32 $0xffff, v2;
	_ =	sdelay $0x1  }
0xe7: {  	(xrf2) =	vadd.scan.msk.f32 $0xffff, v0  }
0xe8: {  	(xrf2) =	vadd.scan.msk.f32 $0xffff, v1;
	_ =	sdelay $0x6  }
0xe9: {  	v4 =	vld [tilespmem:s19+$0x8400];
	v15, _, _ =	vpop (xrf2)  }
0xea: {  	v5 =	vld [tilespmem:s19+$0x8000];
	(v2sf) =	vpush v15, $0xF  }
0xeb: {  	s20 =	simm.s32 $0x30;
	v6 =	vld [tilespmem:s2+$0x8400];
	v10, _, _ =	vpop (xrf2)  }
0xec: {  	v3 =	vld [tilespmem:s20+$0x8600];
	s23 =	spop (v2sf);
	(v2sf) =	vpush v10, $0xF;
	v12, _, _ =	vpop (xrf2)  }
0xed: {  	v7 =	vld [tilespmem:s2+$0x8000];
	(v2sf) =	vpush v12, $0xF  }
0xee: {  	v9 =	vld [tilespmem:s6+$0x8400]  }
0xef: {  	v11 =	vld [tilespmem:s6+$0x8000]  }
0xf0: {  	v13 =	vld [tilespmem:s20+$0x8400]  }
0xf1: {  	s22 =	simm.s32 $0x40;
	v14 =	vld [tilespmem:s20+$0x8000];
	(xrf2) =	vadd.scan.msk.f32 $0xffff, v3  }
0xf2: {  	v8 =	vmul.f32 v5, v4;
	v4 =	vld [tilespmem:s22+$0x8600]  }
0xf3: {  	v6 =	vmul.f32 v7, v6;
	v7 =	vld [tilespmem:s22+$0x8400]  }
0xf4: {  	v5 =	vmul.f32 v11, v9;
	v11 =	vld [tilespmem:s22+$0x8000];
	_ =	sdelay $0x1  }
0xf5: {  	s25 =	simm.s32 $0x140;
	v9 =	vmul.f32 v14, v13;
	v13 =	vadd.f32 s23, v15  }
.LBB2_8:
0xf6: {  	s26 =	sshra.s32 s25, $0x2;
	p1 =	sne.s32 s25, $0x7C0;
	s25 =	sadd.s32 $0x40, s25;
	(xrf2) =	vadd.scan.msk.f32 $0xffff, v4  }
.Ltmp6:
0xf7: {  	s28 =	smov.u32 s20;
	s20 =	smov.u32 s22;
	v13 =	vsub.f32 v13, v2;
	v2 =	vmovc v0;
	v0 =	vmovc v1;
	v1 =	vmov v3;
	v3 =	vmov v4;
	v4 =	vld [tilespmem:s26+$0x8600];
	(pc) =	sbr.rel @p1 .LBB2_8-.Ltmp6, $4  }
0xf8: {  	s22 =	smov.u32 s26;
	v14 =	vmul.f32 v11, v7;
	v7 =	vld [tilespmem:s26+$0x8400];
	s29 =	spop (v2sf)  }
0xf9: {  	v11 =	vld [tilespmem:s22+$0x8000];
	v15 =	vsub.f32 v13, v8;
	s23 =	sadd.f32 s29, s23;
	v8 =	vmovc v6;
	v6 =	vmov v5;
	v5 =	vmov v9  }
0xfa: {  	v16, _, _ =	vpop (xrf2);
	v9 =	vmov v14  }
0xfb: {  	(v2sf) =	vpush v16, $0xF;
	v13 =	vadd.f32 s23, v10;
	[tilespmem:s19+$0x8200] =	vst v15;
	v10 =	vmovc v12;
	v12 =	vmov v16;
	s19 =	smov.u32 s2;
	s2 =	smov.u32 s6;
	s6 =	smov.u32 s28  }
0xfc: {  	_ =	sdelay $0x2  }
0xfd: {  	(xrf2) =	vadd.scan.msk.f32 $0xffff, v4  }
0xfe: {  	v14, _, _ =	vpop (xrf2)  }
0xff: {  	(v2sf) =	vpush v14, $0xF;
	_ =	sdelay $0x7  }
0x100: {  	v15, _, _ =	vpop (xrf2)  }
0x101: {  	s25 =	spop (v2sf);
	(v2sf) =	vpush v15, $0xF  }
0x102: {  	s23 =	sadd.f32 s25, s23  }
0x103: {  	s29 =	spop (v2sf)  }
0x104: {  	s25 =	sadd.f32 s29, s23  }
0x105: {  	s26 =	spop (v2sf)  }
0x106: {  	v2 =	vsub.f32 v13, v2;
	s26 =	sadd.f32 s26, s25  }
0x107: {  	v10 =	vadd.f32 s23, v10;
	s31 =	spop (v2sf)  }
0x108: {  	v2 =	vsub.f32 v2, v8;
	v12 =	vadd.f32 s25, v12;
	s23 =	sadd.f32 s31, s26  }
0x109: {  	v0 =	vsub.f32 v10, v0;
	v58 =	vadd.f32 s26, v14  }
0x10a: {  	v1 =	vsub.f32 v12, v1;
	v59 =	vadd.f32 s23, v15  }
0x10b: {  	v0 =	vsub.f32 v0, v6;
	v3 =	vsub.f32 v58, v3  }
0x10c: {  	v60 =	vmul.f32 v11, v7;
	[tilespmem:s19+$0x8200] =	vst v2;
	v1 =	vsub.f32 v1, v5;
	v61 =	vsub.f32 v59, v4  }
0x10d: {  	[tilespmem:s2+$0x8200] =	vst v0;
	v62 =	vsub.f32 v3, v9  }
0x10e: {  	[tilespmem:s6+$0x8200] =	vst v1;
	v63 =	vsub.f32 v61, v60  }
0x10f: {  	[tilespmem:s20+$0x8200] =	vst v62  }
0x110: {  	s2 =	rddreg [dreg:$0x19];
	s26 =	simm.s32 $0x8200;
	s25 =	spop (v2sf);
	[tilespmem:s22+$0x8200] =	vst v63  }
0x111: {  	[spmem:s2] =	stream.linear.scatter [tilespmem:s26], [sflag:$0x9], $0x200, $0x38;
	[tilespmem:$0x18E00] =	vst v63  }
0x112: {  	_ =	swait.ge [sflag:s13], $0x200  }
0x113: {  	[sflag:s13] =	ssyncset.done $0x0  }
0x114: {  	[sflag:s13] =	ssyncadd.s32 $0xFFFFFE00  }
0x115: {  	[bflag:$0x0] =	sbarrier.arrive $0xFFFF  }
0x116: {  	s29 =	rddreg [dreg:$0x9]  }
0x117: {  	[tilespmem:s7], [sflag:$0x9] =	stream.linear.gather [spmem:s29], $0x2000, $0x38;
	[tilespmem:$0x18E00] =	vst v63  }
0x118: {  	_ =	swait.ge [sflag:s13], $0x2000  }
0x119: {  	[sflag:s13] =	ssyncset.done $0x0  }
0x11a: {  	[sflag:s13] =	ssyncadd.s32 $0xFFFFE000  }
.Ltmp7:
0x11b: {  	s31 =	rddreg [dreg:$0x7];
	(pc) =	sbr.rel .LBB2_10-.Ltmp7, $4  }
0x11c: {  	[tilespmem:s9], [sflag:$0x9] =	stream.linear.gather [spmem:s31], $0x2000, $0x38;
	[tilespmem:$0x18E00] =	vst v63  }
0x11d: {  	_ =	swait.ge [sflag:s13], $0x2000  }
0x11e: {  	[sflag:s13] =	ssyncset.done $0x0  }
0x11f: {  	s28 =	simm.s32 $0x0;
	[sflag:s13] =	ssyncadd.s32 $0xFFFFE000  }
.LBB2_20:
0x120: {  	s28 =	sadd.s32 $0x1, s28  }
0x121: {  	p1 =	sne.s32 s28, $0x4  }
.Ltmp8:
0x122: {  	_ = 	snop;
	(pc) =	sbr.rel @!p1 .LBB2_21-.Ltmp8, $1  }
0x123: {  	_ =	sdelay $0x3  }
.LBB2_10:
0x124: {  	_ =	swait.ge [sflag:s3], $0xFA0  }
0x125: {  	[sflag:s3] =	ssyncset.done $0x0  }
0x126: {  	[sflag:s3] =	ssyncadd.s32 $0xFFFFF060  }
0x127: {  	_ =	swait.ge [sflag:s3], $0xFA0  }
0x128: {  	p1 =	seq.s32 s28, $0x0;
	[sflag:s3] =	ssyncset.done $0x0  }
0x129: {  	s2 =	simm.s32 @!p1 $0x5;
	[sflag:s3] =	ssyncadd.s32 $0xFFFFF060  }
0x12a: {  	_ =	swait.ge @!p1 [sflag:s2], $0xFA0  }
0x12b: {  	[sflag:s2] =	ssyncset.done @!p1 $0x0  }
0x12c: {  	[sflag:s2] =	ssyncadd.s32 @!p1 $0xFFFFF060  }
0x12d: {  	_ =	swait.ge @!p1 [sflag:s2], $0xFA0  }
0x12e: {  	s19 =	simm.s32 $0x0;
	[sflag:s2] =	ssyncset.done @!p1 $0x0  }
0x12f: {  	s22 =	sand.u32 $0xFE0, s19;
	[sflag:s2] =	ssyncadd.s32 @!p1 $0xFFFFF060  }
0x130: {  	v1 =	vld [tilespmem:s22+$0x8880]  }
0x131: {  	s23 =	simm.s32 $0xC850;
	v7 =	vld [tilespmem:s22+$0xC880]  }
0x132: {  	v0 =	vld [tilespmem:s23+$0xFFFFFFB0]  }
0x133: {  	v2 =	vld [tilespmem:s23+$0xFFFFFFD0]  }
0x134: {  	v17 =	vld [tilespmem:s23+$0xFFFFFFC0]  }
0x135: {  	v4 =	vld [tilespmem:s23+$0xFFFFFFE0]  }
0x136: {  	v3 =	vld [tilespmem:s23+$0xFFFFFFF0]  }
0x137: {  	v6 =	vld [tilespmem:s23+$0x0]  }
0x138: {  	v5 =	vld [tilespmem:s23+$0x10]  }
0x139: {  	v14 =	vld [tilespmem:s23+$0x20]  }
0x13a: {  	s29 =	simm.s32 $0x8850;
	v15 =	vld [tilespmem:s23+$0x40]  }
0x13b: {  	v18 =	vld [tilespmem:s29+$0xFFFFFFD0]  }
0x13c: {  	v19 =	vld [tilespmem:s29+$0xFFFFFFC0]  }
0x13d: {  	v9 =	vld [tilespmem:s29+$0x40]  }
0x13e: {  	v10 =	vld [tilespmem:s29+$0x20]  }
0x13f: {  	v22 =	vld [tilespmem:s29+$0x10]  }
0x140: {  	v20 =	vld [tilespmem:s29+$0x0]  }
0x141: {  	v23 =	vld [tilespmem:s29+$0xFFFFFFF0]  }
0x142: {  	v24 =	vld [tilespmem:s29+$0xFFFFFFE0]  }
0x143: {  	v8 =	vld.idx.msk [tilespmem:v1+s10+$0x0], $0xffff  }
0x144: {  	v13 =	vld.idx.msk [tilespmem:v19+s10+$0x0], $0xffff  }
0x145: {  	v11 =	vld.idx.msk [tilespmem:v9+s10+$0x0], $0xffff  }
0x146: {  	v12 =	vld.idx.msk [tilespmem:v10+s10+$0x0], $0xffff  }
0x147: {  	v16 =	vld.idx.msk [tilespmem:v22+s10+$0x0], $0xffff  }
0x148: {  	v25 =	vld.idx.msk [tilespmem:v20+s10+$0x0], $0xffff  }
0x149: {  	v26 =	vld.idx.msk [tilespmem:v23+s10+$0x0], $0xffff  }
0x14a: {  	v27 =	vld.idx.msk [tilespmem:v24+s10+$0x0], $0xffff  }
0x14b: {  	s26 =	simm.s32 $0x10850;
	[tilespmem:s22+$0x10880] =	vst v8;
	v8 =	vld [tilespmem:s29+$0xFFFFFFB0]  }
0x14c: {  	[tilespmem:s26+$0x20] =	vst v12;
	v12 =	vld.idx.msk [tilespmem:v18+s10+$0x0], $0xffff  }
0x14d: {  	[tilespmem:s26+$0x40] =	vst v11;
	v21 =	vld.idx.msk [tilespmem:v1+s9+$0x0], $0xffff  }
0x14e: {  	v28 =	vld.idx.msk [tilespmem:v9+s7+$0x0], $0xffff  }
0x14f: {  	v29 =	vld.idx.msk [tilespmem:v9+s9+$0x0], $0xffff  }
0x150: {  	v30 =	vld.idx.msk [tilespmem:v10+s7+$0x0], $0xffff  }
0x151: {  	[tilespmem:s26+$0x0] =	vst v25;
	v60 =	vld.idx.msk [tilespmem:v10+s9+$0x0], $0xffff  }
0x152: {  	[tilespmem:s26+$0x10] =	vst v16;
	v10 =	vld.idx.msk [tilespmem:v20+s7+$0x0], $0xffff  }
0x153: {  	[tilespmem:s26+$0xFFFFFFF0] =	vst v26;
	v9 =	vld.idx.msk [tilespmem:v22+s9+$0x0], $0xffff  }
0x154: {  	[tilespmem:s26+$0xFFFFFFC0] =	vst v13;
	v11 =	vld.idx.msk [tilespmem:v23+s9+$0x0], $0xffff  }
0x155: {  	v16 =	vld.idx.msk [tilespmem:v19+s7+$0x0], $0xffff  }
0x156: {  	v62 =	vld.idx.msk [tilespmem:v19+s9+$0x0], $0xffff  }
0x157: {  	[tilespmem:s26+$0xFFFFFFE0] =	vst v27;
	v20 =	vld.idx.msk [tilespmem:v20+s9+$0x0], $0xffff  }
0x158: {  	v19 =	vld.idx.msk [tilespmem:v24+s9+$0x0], $0xffff  }
0x159: {  	v15 =	vmul.f32 v29, v15;
	v61 =	vld.idx.msk [tilespmem:v8+s10+$0x0], $0xffff  }
0x15a: {  	[tilespmem:s26+$0xFFFFFFD0] =	vst v12;
	v12 =	vld.idx.msk [tilespmem:v24+s7+$0x0], $0xffff  }
0x15b: {  	v13 =	vld.idx.msk [tilespmem:v18+s9+$0x0], $0xffff;
	v25 =	vmul.f32 v60, v14;
	v63 =	vadd.f32 v15, v28  }
0x15c: {  	s25 =	simm.s32 $0x14850;
	v18 =	vld.idx.msk [tilespmem:v18+s7+$0x0], $0xffff;
	v7 =	vmul.f32 v21, v7  }
0x15d: {  	v21 =	vmul.f32 v62, v17;
	v17 =	vld.idx.msk [tilespmem:v22+s7+$0x0], $0xffff;
	v25 =	vadd.f32 v25, v30;
	[tilespmem:s25+$0x40] =	vst v63  }
0x15e: {  	s6 =	sshll.u32 s28, $0x2;
	s20 =	sshll.u32 s28, $0x7;
	v15 =	vld.idx.msk [tilespmem:v23+s7+$0x0], $0xffff;
	[tilespmem:s26+$0xFFFFFFB0] =	vst v61  }
0x15f: {  	s31 =	simm.s32 $0x108F0;
	s2 =	simm.s32 $0x148F0;
	[tilespmem:s25+$0x20] =	vst v25;
	s26 =	sor.u32 s11, s20;
	v14 =	vld.idx.msk [tilespmem:v8+s9+$0x0], $0xffff  }
.LBB2_11:
0x160: {  	s19 =	sadd.s32 $0xA0, s19;
	v8 =	vld.idx.msk [tilespmem:v8+s7+$0x0], $0xffff;
	v6 =	vmul.f32 v20, v6;
	s29 =	sadd.s32 $0xA0, s29;
	s23 =	sadd.s32 $0xA0, s23  }
0x161: {  	v4 =	vmul.f32 v19, v4;
	s13 =	sand.u32 $0xFE0, s19;
	p2 =	slt.u32 s19, $0xF00;
	v16 =	vadd.f32 v21, v16;
	v19 =	vld.idx.msk [tilespmem:v1+s7+$0x0], $0xffff  }
0x162: {  	v2 =	vmul.f32 v13, v2;
	v3 =	vmul.f32 v11, v3;
	v1 =	vld [tilespmem:s13+$0x8880];
	v6 =	vadd.f32 v6, v10  }
0x163: {  	v5 =	vmul.f32 v9, v5;
	v4 =	vadd.f32 v4, v12;
	v10 =	vld [tilespmem:s13+$0xC880];
	[tilespmem:s25+$0xFFFFFFC0] =	vst v16  }
0x164: {  	v9 =	vmul.f32 v14, v0;
	v12 =	vadd.f32 v3, v15;
	v11 =	vadd.f32 v2, v18;
	v0 =	vld [tilespmem:s23+$0xFFFFFFB0];
	[tilespmem:s25+$0x0] =	vst v6  }
0x165: {  	v3 =	vadd.f32 v5, v17;
	v2 =	vld [tilespmem:s23+$0xFFFFFFD0];
	[tilespmem:s25+$0xFFFFFFE0] =	vst v4  }
0x166: {  	v5 =	vadd.f32 v9, v8;
	v17 =	vld [tilespmem:s23+$0xFFFFFFC0];
	[tilespmem:s25+$0xFFFFFFD0] =	vst v11  }
0x167: {  	v7 =	vadd.f32 v7, v19;
	v4 =	vld [tilespmem:s23+$0xFFFFFFE0];
	[tilespmem:s25+$0x10] =	vst v3  }
0x168: {  	v3 =	vld [tilespmem:s23+$0xFFFFFFF0];
	[tilespmem:s25+$0xFFFFFFF0] =	vst v12  }
0x169: {  	v6 =	vld [tilespmem:s23+$0x0];
	[tilespmem:s22+$0x14880] =	vst v7;
	s22 =	smov.u32 s13  }
0x16a: {  	v7 =	vld.idx.msk [tilespmem:v1+s10+$0x0], $0xffff;
	[tilespmem:s25+$0xFFFFFFB0] =	vst v5;
	s25 =	smov.u32 s2  }
0x16b: {  	v5 =	vld [tilespmem:s23+$0x10]  }
0x16c: {  	v14 =	vld [tilespmem:s23+$0x20]  }
0x16d: {  	v11 =	vld [tilespmem:s23+$0x40]  }
0x16e: {  	v18 =	vld [tilespmem:s29+$0xFFFFFFD0]  }
0x16f: {  	v15 =	vld [tilespmem:s29+$0xFFFFFFC0]  }
0x170: {  	[tilespmem:s22+$0x10880] =	vst v7;
	v9 =	vld [tilespmem:s29+$0x40]  }
0x171: {  	v7 =	vld.idx.msk [tilespmem:v1+s9+$0x0], $0xffff  }
0x172: {  	v12 =	vld [tilespmem:s29+$0x20]  }
0x173: {  	v22 =	vld [tilespmem:s29+$0x10]  }
0x174: {  	v19 =	vld [tilespmem:s29+$0x0]  }
0x175: {  	v21 =	vld [tilespmem:s29+$0xFFFFFFF0]  }
0x176: {  	v23 =	vld [tilespmem:s29+$0xFFFFFFE0]  }
0x177: {  	v7 =	vmul.f32 v7, v10;
	v13 =	vld.idx.msk [tilespmem:v15+s10+$0x0], $0xffff  }
0x178: {  	v10 =	vld.idx.msk [tilespmem:v9+s10+$0x0], $0xffff  }
0x179: {  	v8 =	vld [tilespmem:s29+$0xFFFFFFB0]  }
0x17a: {  	v16 =	vld.idx.msk [tilespmem:v12+s10+$0x0], $0xffff  }
0x17b: {  	v20 =	vld.idx.msk [tilespmem:v22+s10+$0x0], $0xffff  }
0x17c: {  	v24 =	vld.idx.msk [tilespmem:v19+s10+$0x0], $0xffff  }
0x17d: {  	v25 =	vld.idx.msk [tilespmem:v21+s10+$0x0], $0xffff  }
0x17e: {  	v26 =	vld.idx.msk [tilespmem:v23+s10+$0x0], $0xffff;
	[tilespmem:s31+$0x40] =	vst v10  }
0x17f: {  	v27 =	vld.idx.msk [tilespmem:v9+s7+$0x0], $0xffff  }
0x180: {  	[tilespmem:s31+$0x20] =	vst v16;
	v16 =	vld.idx.msk [tilespmem:v9+s9+$0x0], $0xffff  }
0x181: {  	v28 =	vld.idx.msk [tilespmem:v18+s10+$0x0], $0xffff;
	[tilespmem:s31+$0x10] =	vst v20  }
0x182: {  	[tilespmem:s31+$0x0] =	vst v24;
	v20 =	vld.idx.msk [tilespmem:v12+s7+$0x0], $0xffff  }
0x183: {  	[tilespmem:s31+$0xFFFFFFF0] =	vst v25;
	v24 =	vld.idx.msk [tilespmem:v12+s9+$0x0], $0xffff  }
0x184: {  	[tilespmem:s31+$0xFFFFFFE0] =	vst v26;
	v10 =	vld.idx.msk [tilespmem:v19+s7+$0x0], $0xffff  }
0x185: {  	v9 =	vld.idx.msk [tilespmem:v22+s9+$0x0], $0xffff  }
0x186: {  	v25 =	vld.idx.msk [tilespmem:v8+s10+$0x0], $0xffff;
	[tilespmem:s31+$0xFFFFFFC0] =	vst v13;
	v13 =	vmul.f32 v16, v11  }
0x187: {  	[tilespmem:s31+$0xFFFFFFD0] =	vst v28;
	v11 =	vld.idx.msk [tilespmem:v21+s9+$0x0], $0xffff  }
0x188: {  	v12 =	vld.idx.msk [tilespmem:v23+s7+$0x0], $0xffff;
	v26 =	vadd.f32 v13, v27  }
0x189: {  	v14 =	vmul.f32 v24, v14;
	v13 =	vld.idx.msk [tilespmem:v18+s9+$0x0], $0xffff  }
0x18a: {  	v16 =	vld.idx.msk [tilespmem:v15+s7+$0x0], $0xffff;
	[tilespmem:s2+$0x40] =	vst v26  }
0x18b: {  	v14 =	vadd.f32 v14, v20;
	v24 =	vld.idx.msk [tilespmem:v15+s9+$0x0], $0xffff  }
0x18c: {  	[tilespmem:s31+$0xFFFFFFB0] =	vst v25;
	v20 =	vld.idx.msk [tilespmem:v19+s9+$0x0], $0xffff  }
.Ltmp9:
0x18d: {  	v19 =	vld.idx.msk [tilespmem:v23+s9+$0x0], $0xffff;
	[tilespmem:s2+$0x20] =	vst v14;
	(pc) =	sbr.rel @p2 .LBB2_11-.Ltmp9, $4  }
0x18e: {  	v14 =	vld.idx.msk [tilespmem:v8+s9+$0x0], $0xffff  }
0x18f: {  	v15 =	vld.idx.msk [tilespmem:v21+s7+$0x0], $0xffff  }
0x190: {  	v18 =	vld.idx.msk [tilespmem:v18+s7+$0x0], $0xffff  }
0x191: {  	s31 =	sadd.s32 $0xA0, s31;
	s2 =	sadd.s32 $0xA0, s2;
	v21 =	vmul.f32 v24, v17;
	v17 =	vld.idx.msk [tilespmem:v22+s7+$0x0], $0xffff  }
0x192: {  	_ =	sdelay $0x1  }
0x193: {  	v6 =	vmul.f32 v20, v6  }
0x194: {  	v4 =	vmul.f32 v19, v4;
	v16 =	vadd.f32 v21, v16  }
0x195: {  	v1 =	vld.idx.msk [tilespmem:v1+s7+$0x0], $0xffff;
	v3 =	vmul.f32 v11, v3;
	v6 =	vadd.f32 v6, v10  }
0x196: {  	v2 =	vmul.f32 v13, v2;
	v8 =	vld.idx.msk [tilespmem:v8+s7+$0x0], $0xffff;
	v4 =	vadd.f32 v4, v12;
	[tilespmem:s25+$0xFFFFFFC0] =	vst v16  }
0x197: {  	v5 =	vmul.f32 v9, v5;
	v3 =	vadd.f32 v3, v15;
	[tilespmem:s25+$0x0] =	vst v6  }
0x198: {  	v2 =	vadd.f32 v2, v18;
	[tilespmem:s25+$0xFFFFFFE0] =	vst v4  }
0x199: {  	v0 =	vmul.f32 v14, v0;
	v4 =	vadd.f32 v5, v17;
	[tilespmem:s25+$0xFFFFFFF0] =	vst v3  }
0x19a: {  	[tilespmem:s25+$0xFFFFFFD0] =	vst v2;
	v1 =	vadd.f32 v7, v1  }
0x19b: {  	s19 =	smul.u32 $0x1F4, s26;
	v0 =	vadd.f32 v0, v8;
	[tilespmem:s25+$0x10] =	vst v4  }
0x19c: {  	[tilespmem:s22+$0x14880] =	vst v1  }
0x19d: {  	s13 =	simm.s32 $0x10800;
	s2 =	sadd.s32 s4, s19;
	[tilespmem:s25+$0xFFFFFFB0] =	vst v0  }
0x19e: {  	[hbm4b:s2+s10] =	stream.linear.scatter [tilespmem:s13], [sflag:$0x5], $0xFA0, $0x38;
	[tilespmem:$0x18E00] =	vst v63  }
0x19f: {  	s2 =	sadd.s32 $0x4, s6  }
0x1a0: {  	p2 =	sgt.u32 s2, s12  }
0x1a1: {  	s2 =	sshll.u32 @!p2 s2, $0x5  }
0x1a2: {  	s2 =	sor.u32 @!p2 s11, s2  }
0x1a3: {  	s23 =	sadd.s32 s5, s19;
	s25 =	simm.s32 $0x14800;
	s2 =	smul.u32 @!p2 $0x1F4, s2  }
0x1a4: {  	[hbm4b:s23+s10] =	stream.linear.scatter [tilespmem:s25], [sflag:$0x5], $0xFA0, $0x38;
	[tilespmem:$0x18E00] =	vst v63  }
0x1a5: {  	s22 =	simm.s32 @!p2 $0x0;
	s23 =	simm.s32 @!p2 $0x8800;
	s13 =	sadd.s32 @!p2 s1, s2  }
0x1a6: {  	[tilespmem:s23], [sflag:$0x1] =	stream.linear.gather @!p2 [hbm4b:s13+s22], $0xFA0, $0x38;
	[tilespmem:$0x18E00] =	vst v63  }
0x1a7: {  	s2 =	sadd.s32 @!p2 s0, s2;
	s13 =	simm.s32 @!p2 $0xC800  }
0x1a8: {  	[tilespmem:s13], [sflag:$0x1] =	stream.linear.gather @!p2 [hbm4b:s2+s22], $0xFA0, $0x38;
	[tilespmem:$0x18E00] =	vst v63  }
0x1a9: {  	_ =	swait.ge [sflag:s14], $0xFA0  }
0x1aa: {  	[sflag:s14] =	ssyncset.done $0x0  }
0x1ab: {  	[sflag:s14] =	ssyncadd.s32 $0xFFFFF060  }
0x1ac: {  	_ =	swait.ge [sflag:s14], $0xFA0  }
0x1ad: {  	[sflag:s14] =	ssyncset.done $0x0  }
0x1ae: {  	s2 =	simm.s32 @!p1 $0x6;
	[sflag:s14] =	ssyncadd.s32 $0xFFFFF060  }
0x1af: {  	_ =	swait.ge @!p1 [sflag:s2], $0xFA0  }
0x1b0: {  	[sflag:s2] =	ssyncset.done @!p1 $0x0  }
0x1b1: {  	[sflag:s2] =	ssyncadd.s32 @!p1 $0xFFFFF060  }
0x1b2: {  	_ =	swait.ge @!p1 [sflag:s2], $0xFA0  }
0x1b3: {  	s23 =	simm.s32 $0x0;
	[sflag:s2] =	ssyncset.done @!p1 $0x0  }
0x1b4: {  	s22 =	sand.u32 $0xFE0, s23;
	[sflag:s2] =	ssyncadd.s32 @!p1 $0xFFFFF060  }
0x1b5: {  	v1 =	vld [tilespmem:s22+$0x9880]  }
0x1b6: {  	s29 =	simm.s32 $0xD850;
	v7 =	vld [tilespmem:s22+$0xD880]  }
0x1b7: {  	v0 =	vld [tilespmem:s29+$0xFFFFFFB0]  }
0x1b8: {  	v2 =	vld [tilespmem:s29+$0xFFFFFFD0]  }
0x1b9: {  	v17 =	vld [tilespmem:s29+$0xFFFFFFC0]  }
0x1ba: {  	v4 =	vld [tilespmem:s29+$0xFFFFFFE0]  }
0x1bb: {  	v3 =	vld [tilespmem:s29+$0xFFFFFFF0]  }
0x1bc: {  	v6 =	vld [tilespmem:s29+$0x0]  }
0x1bd: {  	v5 =	vld [tilespmem:s29+$0x10]  }
0x1be: {  	v14 =	vld [tilespmem:s29+$0x20]  }
0x1bf: {  	s25 =	simm.s32 $0x9850;
	v15 =	vld [tilespmem:s29+$0x40]  }
0x1c0: {  	v18 =	vld [tilespmem:s25+$0xFFFFFFD0]  }
0x1c1: {  	v19 =	vld [tilespmem:s25+$0xFFFFFFC0]  }
0x1c2: {  	v9 =	vld [tilespmem:s25+$0x40]  }
0x1c3: {  	v10 =	vld [tilespmem:s25+$0x20]  }
0x1c4: {  	v22 =	vld [tilespmem:s25+$0x10]  }
0x1c5: {  	v20 =	vld [tilespmem:s25+$0x0]  }
0x1c6: {  	v23 =	vld [tilespmem:s25+$0xFFFFFFF0]  }
0x1c7: {  	v24 =	vld [tilespmem:s25+$0xFFFFFFE0]  }
0x1c8: {  	v8 =	vld.idx.msk [tilespmem:v1+s10+$0x0], $0xffff  }
0x1c9: {  	v13 =	vld.idx.msk [tilespmem:v19+s10+$0x0], $0xffff  }
0x1ca: {  	v11 =	vld.idx.msk [tilespmem:v9+s10+$0x0], $0xffff  }
0x1cb: {  	v12 =	vld.idx.msk [tilespmem:v10+s10+$0x0], $0xffff  }
0x1cc: {  	v16 =	vld.idx.msk [tilespmem:v22+s10+$0x0], $0xffff  }
0x1cd: {  	v25 =	vld.idx.msk [tilespmem:v20+s10+$0x0], $0xffff  }
0x1ce: {  	v26 =	vld.idx.msk [tilespmem:v23+s10+$0x0], $0xffff  }
0x1cf: {  	v27 =	vld.idx.msk [tilespmem:v24+s10+$0x0], $0xffff  }
0x1d0: {  	s26 =	simm.s32 $0x11850;
	[tilespmem:s22+$0x11880] =	vst v8;
	v8 =	vld [tilespmem:s25+$0xFFFFFFB0]  }
0x1d1: {  	[tilespmem:s26+$0x20] =	vst v12;
	v12 =	vld.idx.msk [tilespmem:v18+s10+$0x0], $0xffff  }
0x1d2: {  	[tilespmem:s26+$0x40] =	vst v11;
	v21 =	vld.idx.msk [tilespmem:v1+s9+$0x0], $0xffff  }
0x1d3: {  	v28 =	vld.idx.msk [tilespmem:v9+s7+$0x0], $0xffff  }
0x1d4: {  	v29 =	vld.idx.msk [tilespmem:v9+s9+$0x0], $0xffff  }
0x1d5: {  	v30 =	vld.idx.msk [tilespmem:v10+s7+$0x0], $0xffff  }
0x1d6: {  	[tilespmem:s26+$0x0] =	vst v25;
	v60 =	vld.idx.msk [tilespmem:v10+s9+$0x0], $0xffff  }
0x1d7: {  	[tilespmem:s26+$0x10] =	vst v16;
	v10 =	vld.idx.msk [tilespmem:v20+s7+$0x0], $0xffff  }
0x1d8: {  	[tilespmem:s26+$0xFFFFFFF0] =	vst v26;
	v9 =	vld.idx.msk [tilespmem:v22+s9+$0x0], $0xffff  }
0x1d9: {  	[tilespmem:s26+$0xFFFFFFC0] =	vst v13;
	v11 =	vld.idx.msk [tilespmem:v23+s9+$0x0], $0xffff  }
0x1da: {  	v16 =	vld.idx.msk [tilespmem:v19+s7+$0x0], $0xffff  }
0x1db: {  	v62 =	vld.idx.msk [tilespmem:v19+s9+$0x0], $0xffff  }
0x1dc: {  	v20 =	vld.idx.msk [tilespmem:v20+s9+$0x0], $0xffff  }
0x1dd: {  	[tilespmem:s26+$0xFFFFFFE0] =	vst v27;
	v61 =	vld.idx.msk [tilespmem:v8+s10+$0x0], $0xffff  }
0x1de: {  	v19 =	vld.idx.msk [tilespmem:v24+s9+$0x0], $0xffff  }
0x1df: {  	[tilespmem:s26+$0xFFFFFFD0] =	vst v12;
	v12 =	vld.idx.msk [tilespmem:v24+s7+$0x0], $0xffff;
	v15 =	vmul.f32 v29, v15  }
0x1e0: {  	v13 =	vld.idx.msk [tilespmem:v18+s9+$0x0], $0xffff;
	v25 =	vmul.f32 v60, v14  }
0x1e1: {  	v18 =	vld.idx.msk [tilespmem:v18+s7+$0x0], $0xffff;
	v7 =	vmul.f32 v21, v7;
	v63 =	vadd.f32 v15, v28  }
0x1e2: {  	v21 =	vmul.f32 v62, v17;
	v17 =	vld.idx.msk [tilespmem:v22+s7+$0x0], $0xffff;
	v25 =	vadd.f32 v25, v30;
	[tilespmem:s26+$0xFFFFFFB0] =	vst v61;
	s26 =	simm.s32 $0x15850  }
0x1e3: {  	v15 =	vld.idx.msk [tilespmem:v23+s7+$0x0], $0xffff;
	[tilespmem:s26+$0x40] =	vst v63  }
0x1e4: {  	s20 =	sor.u32 s30, s20;
	s31 =	simm.s32 $0x118F0;
	s2 =	simm.s32 $0x158F0;
	v14 =	vld.idx.msk [tilespmem:v8+s9+$0x0], $0xffff;
	[tilespmem:s26+$0x20] =	vst v25  }
.LBB2_13:
0x1e5: {  	s23 =	sadd.s32 $0xA0, s23;
	v8 =	vld.idx.msk [tilespmem:v8+s7+$0x0], $0xffff;
	v6 =	vmul.f32 v20, v6;
	s25 =	sadd.s32 $0xA0, s25;
	s29 =	sadd.s32 $0xA0, s29  }
0x1e6: {  	v4 =	vmul.f32 v19, v4;
	s13 =	sand.u32 $0xFE0, s23;
	p2 =	slt.u32 s23, $0xF00;
	v16 =	vadd.f32 v21, v16;
	v19 =	vld.idx.msk [tilespmem:v1+s7+$0x0], $0xffff  }
0x1e7: {  	v2 =	vmul.f32 v13, v2;
	v3 =	vmul.f32 v11, v3;
	v1 =	vld [tilespmem:s13+$0x9880];
	v6 =	vadd.f32 v6, v10  }
0x1e8: {  	v5 =	vmul.f32 v9, v5;
	v4 =	vadd.f32 v4, v12;
	v10 =	vld [tilespmem:s13+$0xD880];
	[tilespmem:s26+$0xFFFFFFC0] =	vst v16  }
0x1e9: {  	v9 =	vmul.f32 v14, v0;
	v12 =	vadd.f32 v3, v15;
	v11 =	vadd.f32 v2, v18;
	v0 =	vld [tilespmem:s29+$0xFFFFFFB0];
	[tilespmem:s26+$0x0] =	vst v6  }
0x1ea: {  	v3 =	vadd.f32 v5, v17;
	v2 =	vld [tilespmem:s29+$0xFFFFFFD0];
	[tilespmem:s26+$0xFFFFFFE0] =	vst v4  }
0x1eb: {  	v5 =	vadd.f32 v9, v8;
	v17 =	vld [tilespmem:s29+$0xFFFFFFC0];
	[tilespmem:s26+$0xFFFFFFD0] =	vst v11  }
0x1ec: {  	v7 =	vadd.f32 v7, v19;
	v4 =	vld [tilespmem:s29+$0xFFFFFFE0];
	[tilespmem:s26+$0x10] =	vst v3  }
0x1ed: {  	v3 =	vld [tilespmem:s29+$0xFFFFFFF0];
	[tilespmem:s26+$0xFFFFFFF0] =	vst v12  }
0x1ee: {  	v6 =	vld [tilespmem:s29+$0x0];
	[tilespmem:s22+$0x15880] =	vst v7;
	s22 =	smov.u32 s13  }
0x1ef: {  	v7 =	vld.idx.msk [tilespmem:v1+s10+$0x0], $0xffff;
	[tilespmem:s26+$0xFFFFFFB0] =	vst v5;
	s26 =	smov.u32 s2  }
0x1f0: {  	v5 =	vld [tilespmem:s29+$0x10]  }
0x1f1: {  	v14 =	vld [tilespmem:s29+$0x20]  }
0x1f2: {  	v11 =	vld [tilespmem:s29+$0x40]  }
0x1f3: {  	v18 =	vld [tilespmem:s25+$0xFFFFFFD0]  }
0x1f4: {  	v15 =	vld [tilespmem:s25+$0xFFFFFFC0]  }
0x1f5: {  	[tilespmem:s22+$0x11880] =	vst v7;
	v9 =	vld [tilespmem:s25+$0x40]  }
0x1f6: {  	v7 =	vld.idx.msk [tilespmem:v1+s9+$0x0], $0xffff  }
0x1f7: {  	v12 =	vld [tilespmem:s25+$0x20]  }
0x1f8: {  	v22 =	vld [tilespmem:s25+$0x10]  }
0x1f9: {  	v19 =	vld [tilespmem:s25+$0x0]  }
0x1fa: {  	v21 =	vld [tilespmem:s25+$0xFFFFFFF0]  }
0x1fb: {  	v23 =	vld [tilespmem:s25+$0xFFFFFFE0]  }
0x1fc: {  	v7 =	vmul.f32 v7, v10;
	v13 =	vld.idx.msk [tilespmem:v15+s10+$0x0], $0xffff  }
0x1fd: {  	v10 =	vld.idx.msk [tilespmem:v9+s10+$0x0], $0xffff  }
0x1fe: {  	v8 =	vld [tilespmem:s25+$0xFFFFFFB0]  }
0x1ff: {  	v16 =	vld.idx.msk [tilespmem:v12+s10+$0x0], $0xffff  }
0x200: {  	v20 =	vld.idx.msk [tilespmem:v22+s10+$0x0], $0xffff  }
0x201: {  	v24 =	vld.idx.msk [tilespmem:v19+s10+$0x0], $0xffff  }
0x202: {  	v25 =	vld.idx.msk [tilespmem:v21+s10+$0x0], $0xffff  }
0x203: {  	v26 =	vld.idx.msk [tilespmem:v23+s10+$0x0], $0xffff;
	[tilespmem:s31+$0x40] =	vst v10  }
0x204: {  	v27 =	vld.idx.msk [tilespmem:v9+s7+$0x0], $0xffff  }
0x205: {  	[tilespmem:s31+$0x20] =	vst v16;
	v16 =	vld.idx.msk [tilespmem:v9+s9+$0x0], $0xffff  }
0x206: {  	v28 =	vld.idx.msk [tilespmem:v18+s10+$0x0], $0xffff;
	[tilespmem:s31+$0x10] =	vst v20  }
0x207: {  	[tilespmem:s31+$0x0] =	vst v24;
	v20 =	vld.idx.msk [tilespmem:v12+s7+$0x0], $0xffff  }
0x208: {  	[tilespmem:s31+$0xFFFFFFF0] =	vst v25;
	v24 =	vld.idx.msk [tilespmem:v12+s9+$0x0], $0xffff  }
0x209: {  	[tilespmem:s31+$0xFFFFFFE0] =	vst v26;
	v10 =	vld.idx.msk [tilespmem:v19+s7+$0x0], $0xffff  }
0x20a: {  	v9 =	vld.idx.msk [tilespmem:v22+s9+$0x0], $0xffff  }
0x20b: {  	v25 =	vld.idx.msk [tilespmem:v8+s10+$0x0], $0xffff;
	[tilespmem:s31+$0xFFFFFFC0] =	vst v13;
	v13 =	vmul.f32 v16, v11  }
0x20c: {  	[tilespmem:s31+$0xFFFFFFD0] =	vst v28;
	v11 =	vld.idx.msk [tilespmem:v21+s9+$0x0], $0xffff  }
0x20d: {  	v12 =	vld.idx.msk [tilespmem:v23+s7+$0x0], $0xffff;
	v26 =	vadd.f32 v13, v27  }
0x20e: {  	v14 =	vmul.f32 v24, v14;
	v13 =	vld.idx.msk [tilespmem:v18+s9+$0x0], $0xffff  }
0x20f: {  	v16 =	vld.idx.msk [tilespmem:v15+s7+$0x0], $0xffff;
	[tilespmem:s2+$0x40] =	vst v26  }
0x210: {  	v14 =	vadd.f32 v14, v20;
	v24 =	vld.idx.msk [tilespmem:v15+s9+$0x0], $0xffff  }
0x211: {  	[tilespmem:s31+$0xFFFFFFB0] =	vst v25;
	v20 =	vld.idx.msk [tilespmem:v19+s9+$0x0], $0xffff  }
.Ltmp10:
0x212: {  	v19 =	vld.idx.msk [tilespmem:v23+s9+$0x0], $0xffff;
	[tilespmem:s2+$0x20] =	vst v14;
	(pc) =	sbr.rel @p2 .LBB2_13-.Ltmp10, $4  }
0x213: {  	v14 =	vld.idx.msk [tilespmem:v8+s9+$0x0], $0xffff  }
0x214: {  	v15 =	vld.idx.msk [tilespmem:v21+s7+$0x0], $0xffff  }
0x215: {  	v18 =	vld.idx.msk [tilespmem:v18+s7+$0x0], $0xffff  }
0x216: {  	s31 =	sadd.s32 $0xA0, s31;
	s2 =	sadd.s32 $0xA0, s2;
	v21 =	vmul.f32 v24, v17;
	v17 =	vld.idx.msk [tilespmem:v22+s7+$0x0], $0xffff  }
0x217: {  	_ =	sdelay $0x1  }
0x218: {  	v6 =	vmul.f32 v20, v6  }
0x219: {  	v4 =	vmul.f32 v19, v4;
	v16 =	vadd.f32 v21, v16  }
0x21a: {  	v1 =	vld.idx.msk [tilespmem:v1+s7+$0x0], $0xffff;
	v3 =	vmul.f32 v11, v3;
	v6 =	vadd.f32 v6, v10  }
0x21b: {  	v2 =	vmul.f32 v13, v2;
	v8 =	vld.idx.msk [tilespmem:v8+s7+$0x0], $0xffff;
	v4 =	vadd.f32 v4, v12;
	[tilespmem:s26+$0xFFFFFFC0] =	vst v16  }
0x21c: {  	v5 =	vmul.f32 v9, v5;
	v3 =	vadd.f32 v3, v15;
	[tilespmem:s26+$0x0] =	vst v6  }
0x21d: {  	v2 =	vadd.f32 v2, v18;
	[tilespmem:s26+$0xFFFFFFE0] =	vst v4  }
0x21e: {  	v0 =	vmul.f32 v14, v0;
	v4 =	vadd.f32 v5, v17;
	[tilespmem:s26+$0xFFFFFFF0] =	vst v3  }
0x21f: {  	[tilespmem:s26+$0xFFFFFFD0] =	vst v2;
	v1 =	vadd.f32 v7, v1  }
0x220: {  	s2 =	smul.u32 $0x1F4, s20;
	v0 =	vadd.f32 v0, v8;
	[tilespmem:s26+$0x10] =	vst v4  }
0x221: {  	[tilespmem:s22+$0x15880] =	vst v1  }
0x222: {  	s13 =	sadd.s32 s4, s2;
	[tilespmem:s26+$0xFFFFFFB0] =	vst v0  }
0x223: {  	[hbm4b:s13+s10] =	stream.linear.scatter [tilespmem:s15], [sflag:$0x6], $0xFA0, $0x38;
	[tilespmem:$0x18E00] =	vst v63  }
0x224: {  	s13 =	sadd.s32 $0x5, s6  }
0x225: {  	p2 =	sgt.u32 s13, s12  }
0x226: {  	s13 =	sshll.u32 @!p2 s13, $0x5  }
0x227: {  	s13 =	sor.u32 @!p2 s11, s13  }
0x228: {  	s2 =	sadd.s32 s5, s2;
	s13 =	smul.u32 @!p2 $0x1F4, s13  }
0x229: {  	[hbm4b:s2+s10] =	stream.linear.scatter [tilespmem:s16], [sflag:$0x6], $0xFA0, $0x38;
	[tilespmem:$0x18E00] =	vst v63  }
0x22a: {  	s20 =	simm.s32 @!p2 $0x0;
	s22 =	simm.s32 @!p2 $0x9800;
	s2 =	sadd.s32 @!p2 s1, s13  }
0x22b: {  	[tilespmem:s22], [sflag:$0x2] =	stream.linear.gather @!p2 [hbm4b:s2+s20], $0xFA0, $0x38;
	[tilespmem:$0x18E00] =	vst v63  }
0x22c: {  	s2 =	sadd.s32 @!p2 s0, s13;
	s13 =	simm.s32 @!p2 $0xD800  }
0x22d: {  	[tilespmem:s13], [sflag:$0x2] =	stream.linear.gather @!p2 [hbm4b:s2+s20], $0xFA0, $0x38;
	[tilespmem:$0x18E00] =	vst v63  }
0x22e: {  	_ =	swait.ge [sflag:s17], $0xFA0  }
0x22f: {  	[sflag:s17] =	ssyncset.done $0x0  }
0x230: {  	[sflag:s17] =	ssyncadd.s32 $0xFFFFF060  }
0x231: {  	_ =	swait.ge [sflag:s17], $0xFA0  }
0x232: {  	[sflag:s17] =	ssyncset.done $0x0  }
0x233: {  	s2 =	simm.s32 @!p1 $0x7;
	[sflag:s17] =	ssyncadd.s32 $0xFFFFF060  }
0x234: {  	_ =	swait.ge @!p1 [sflag:s2], $0xFA0  }
0x235: {  	[sflag:s2] =	ssyncset.done @!p1 $0x0  }
0x236: {  	[sflag:s2] =	ssyncadd.s32 @!p1 $0xFFFFF060  }
0x237: {  	_ =	swait.ge @!p1 [sflag:s2], $0xFA0  }
0x238: {  	s22 =	simm.s32 $0x0;
	[sflag:s2] =	ssyncset.done @!p1 $0x0  }
0x239: {  	s20 =	sand.u32 $0xFE0, s22;
	[sflag:s2] =	ssyncadd.s32 @!p1 $0xFFFFF060  }
0x23a: {  	v1 =	vld [tilespmem:s20+$0xA880]  }
0x23b: {  	s23 =	simm.s32 $0xE850;
	v7 =	vld [tilespmem:s20+$0xE880]  }
0x23c: {  	v0 =	vld [tilespmem:s23+$0xFFFFFFB0]  }
0x23d: {  	v2 =	vld [tilespmem:s23+$0xFFFFFFD0]  }
0x23e: {  	v17 =	vld [tilespmem:s23+$0xFFFFFFC0]  }
0x23f: {  	v4 =	vld [tilespmem:s23+$0xFFFFFFE0]  }
0x240: {  	v3 =	vld [tilespmem:s23+$0xFFFFFFF0]  }
0x241: {  	v6 =	vld [tilespmem:s23+$0x0]  }
0x242: {  	v5 =	vld [tilespmem:s23+$0x10]  }
0x243: {  	v14 =	vld [tilespmem:s23+$0x20]  }
0x244: {  	s25 =	simm.s32 $0xA850;
	v15 =	vld [tilespmem:s23+$0x40]  }
0x245: {  	v18 =	vld [tilespmem:s25+$0xFFFFFFD0]  }
0x246: {  	v19 =	vld [tilespmem:s25+$0xFFFFFFC0]  }
0x247: {  	v9 =	vld [tilespmem:s25+$0x40]  }
0x248: {  	v10 =	vld [tilespmem:s25+$0x20]  }
0x249: {  	v22 =	vld [tilespmem:s25+$0x10]  }
0x24a: {  	v20 =	vld [tilespmem:s25+$0x0]  }
0x24b: {  	v23 =	vld [tilespmem:s25+$0xFFFFFFF0]  }
0x24c: {  	v24 =	vld [tilespmem:s25+$0xFFFFFFE0]  }
0x24d: {  	v8 =	vld.idx.msk [tilespmem:v1+s10+$0x0], $0xffff  }
0x24e: {  	v13 =	vld.idx.msk [tilespmem:v19+s10+$0x0], $0xffff  }
0x24f: {  	v11 =	vld.idx.msk [tilespmem:v9+s10+$0x0], $0xffff  }
0x250: {  	v12 =	vld.idx.msk [tilespmem:v10+s10+$0x0], $0xffff  }
0x251: {  	v16 =	vld.idx.msk [tilespmem:v22+s10+$0x0], $0xffff  }
0x252: {  	v25 =	vld.idx.msk [tilespmem:v20+s10+$0x0], $0xffff  }
0x253: {  	v26 =	vld.idx.msk [tilespmem:v23+s10+$0x0], $0xffff  }
0x254: {  	v27 =	vld.idx.msk [tilespmem:v24+s10+$0x0], $0xffff  }
0x255: {  	s31 =	simm.s32 $0x12850;
	[tilespmem:s20+$0x12880] =	vst v8;
	v8 =	vld [tilespmem:s25+$0xFFFFFFB0]  }
0x256: {  	[tilespmem:s31+$0x20] =	vst v12;
	v12 =	vld.idx.msk [tilespmem:v18+s10+$0x0], $0xffff  }
0x257: {  	[tilespmem:s31+$0x40] =	vst v11;
	v21 =	vld.idx.msk [tilespmem:v1+s9+$0x0], $0xffff  }
0x258: {  	v28 =	vld.idx.msk [tilespmem:v9+s7+$0x0], $0xffff  }
0x259: {  	v29 =	vld.idx.msk [tilespmem:v9+s9+$0x0], $0xffff  }
0x25a: {  	v30 =	vld.idx.msk [tilespmem:v10+s7+$0x0], $0xffff  }
0x25b: {  	[tilespmem:s31+$0x0] =	vst v25;
	v60 =	vld.idx.msk [tilespmem:v10+s9+$0x0], $0xffff  }
0x25c: {  	[tilespmem:s31+$0x10] =	vst v16;
	v10 =	vld.idx.msk [tilespmem:v20+s7+$0x0], $0xffff  }
0x25d: {  	[tilespmem:s31+$0xFFFFFFF0] =	vst v26;
	v9 =	vld.idx.msk [tilespmem:v22+s9+$0x0], $0xffff  }
0x25e: {  	[tilespmem:s31+$0xFFFFFFC0] =	vst v13;
	v11 =	vld.idx.msk [tilespmem:v23+s9+$0x0], $0xffff  }
0x25f: {  	v16 =	vld.idx.msk [tilespmem:v19+s7+$0x0], $0xffff  }
0x260: {  	v62 =	vld.idx.msk [tilespmem:v19+s9+$0x0], $0xffff  }
0x261: {  	[tilespmem:s31+$0xFFFFFFE0] =	vst v27;
	v20 =	vld.idx.msk [tilespmem:v20+s9+$0x0], $0xffff  }
0x262: {  	v19 =	vld.idx.msk [tilespmem:v24+s9+$0x0], $0xffff  }
0x263: {  	v15 =	vmul.f32 v29, v15;
	v61 =	vld.idx.msk [tilespmem:v8+s10+$0x0], $0xffff  }
0x264: {  	[tilespmem:s31+$0xFFFFFFD0] =	vst v12;
	v12 =	vld.idx.msk [tilespmem:v24+s7+$0x0], $0xffff  }
0x265: {  	v13 =	vld.idx.msk [tilespmem:v18+s9+$0x0], $0xffff;
	v25 =	vmul.f32 v60, v14;
	v63 =	vadd.f32 v15, v28  }
0x266: {  	s26 =	simm.s32 $0x16850;
	v18 =	vld.idx.msk [tilespmem:v18+s7+$0x0], $0xffff;
	v7 =	vmul.f32 v21, v7  }
0x267: {  	v21 =	vmul.f32 v62, v17;
	v17 =	vld.idx.msk [tilespmem:v22+s7+$0x0], $0xffff;
	v25 =	vadd.f32 v25, v30;
	[tilespmem:s26+$0x40] =	vst v63  }
0x268: {  	v15 =	vld.idx.msk [tilespmem:v23+s7+$0x0], $0xffff;
	[tilespmem:s31+$0xFFFFFFB0] =	vst v61  }
0x269: {  	s29 =	simm.s32 $0x128F0;
	s2 =	simm.s32 $0x168F0;
	[tilespmem:s26+$0x20] =	vst v25;
	v14 =	vld.idx.msk [tilespmem:v8+s9+$0x0], $0xffff  }
.LBB2_15:
0x26a: {  	s22 =	sadd.s32 $0xA0, s22;
	v8 =	vld.idx.msk [tilespmem:v8+s7+$0x0], $0xffff;
	v6 =	vmul.f32 v20, v6;
	s25 =	sadd.s32 $0xA0, s25;
	s23 =	sadd.s32 $0xA0, s23  }
0x26b: {  	v4 =	vmul.f32 v19, v4;
	s13 =	sand.u32 $0xFE0, s22;
	p2 =	slt.u32 s22, $0xF00;
	v16 =	vadd.f32 v21, v16;
	v19 =	vld.idx.msk [tilespmem:v1+s7+$0x0], $0xffff  }
0x26c: {  	v2 =	vmul.f32 v13, v2;
	v3 =	vmul.f32 v11, v3;
	v1 =	vld [tilespmem:s13+$0xA880];
	v6 =	vadd.f32 v6, v10  }
0x26d: {  	v5 =	vmul.f32 v9, v5;
	v4 =	vadd.f32 v4, v12;
	v10 =	vld [tilespmem:s13+$0xE880];
	[tilespmem:s26+$0xFFFFFFC0] =	vst v16  }
0x26e: {  	v9 =	vmul.f32 v14, v0;
	v12 =	vadd.f32 v3, v15;
	v11 =	vadd.f32 v2, v18;
	v0 =	vld [tilespmem:s23+$0xFFFFFFB0];
	[tilespmem:s26+$0x0] =	vst v6  }
0x26f: {  	v3 =	vadd.f32 v5, v17;
	v2 =	vld [tilespmem:s23+$0xFFFFFFD0];
	[tilespmem:s26+$0xFFFFFFE0] =	vst v4  }
0x270: {  	v5 =	vadd.f32 v9, v8;
	v17 =	vld [tilespmem:s23+$0xFFFFFFC0];
	[tilespmem:s26+$0xFFFFFFD0] =	vst v11  }
0x271: {  	v7 =	vadd.f32 v7, v19;
	v4 =	vld [tilespmem:s23+$0xFFFFFFE0];
	[tilespmem:s26+$0x10] =	vst v3  }
0x272: {  	v3 =	vld [tilespmem:s23+$0xFFFFFFF0];
	[tilespmem:s26+$0xFFFFFFF0] =	vst v12  }
0x273: {  	v6 =	vld [tilespmem:s23+$0x0];
	[tilespmem:s20+$0x16880] =	vst v7;
	s20 =	smov.u32 s13  }
0x274: {  	v7 =	vld.idx.msk [tilespmem:v1+s10+$0x0], $0xffff;
	[tilespmem:s26+$0xFFFFFFB0] =	vst v5;
	s26 =	smov.u32 s2  }
0x275: {  	v5 =	vld [tilespmem:s23+$0x10]  }
0x276: {  	v14 =	vld [tilespmem:s23+$0x20]  }
0x277: {  	v11 =	vld [tilespmem:s23+$0x40]  }
0x278: {  	v18 =	vld [tilespmem:s25+$0xFFFFFFD0]  }
0x279: {  	v15 =	vld [tilespmem:s25+$0xFFFFFFC0]  }
0x27a: {  	[tilespmem:s20+$0x12880] =	vst v7;
	v9 =	vld [tilespmem:s25+$0x40]  }
0x27b: {  	v7 =	vld.idx.msk [tilespmem:v1+s9+$0x0], $0xffff  }
0x27c: {  	v12 =	vld [tilespmem:s25+$0x20]  }
0x27d: {  	v22 =	vld [tilespmem:s25+$0x10]  }
0x27e: {  	v19 =	vld [tilespmem:s25+$0x0]  }
0x27f: {  	v21 =	vld [tilespmem:s25+$0xFFFFFFF0]  }
0x280: {  	v23 =	vld [tilespmem:s25+$0xFFFFFFE0]  }
0x281: {  	v7 =	vmul.f32 v7, v10;
	v13 =	vld.idx.msk [tilespmem:v15+s10+$0x0], $0xffff  }
0x282: {  	v10 =	vld.idx.msk [tilespmem:v9+s10+$0x0], $0xffff  }
0x283: {  	v8 =	vld [tilespmem:s25+$0xFFFFFFB0]  }
0x284: {  	v16 =	vld.idx.msk [tilespmem:v12+s10+$0x0], $0xffff  }
0x285: {  	v20 =	vld.idx.msk [tilespmem:v22+s10+$0x0], $0xffff  }
0x286: {  	v24 =	vld.idx.msk [tilespmem:v19+s10+$0x0], $0xffff  }
0x287: {  	v25 =	vld.idx.msk [tilespmem:v21+s10+$0x0], $0xffff  }
0x288: {  	v26 =	vld.idx.msk [tilespmem:v23+s10+$0x0], $0xffff;
	[tilespmem:s29+$0x40] =	vst v10  }
0x289: {  	v27 =	vld.idx.msk [tilespmem:v9+s7+$0x0], $0xffff  }
0x28a: {  	[tilespmem:s29+$0x20] =	vst v16;
	v16 =	vld.idx.msk [tilespmem:v9+s9+$0x0], $0xffff  }
0x28b: {  	v28 =	vld.idx.msk [tilespmem:v18+s10+$0x0], $0xffff;
	[tilespmem:s29+$0x10] =	vst v20  }
0x28c: {  	[tilespmem:s29+$0x0] =	vst v24;
	v20 =	vld.idx.msk [tilespmem:v12+s7+$0x0], $0xffff  }
0x28d: {  	[tilespmem:s29+$0xFFFFFFF0] =	vst v25;
	v24 =	vld.idx.msk [tilespmem:v12+s9+$0x0], $0xffff  }
0x28e: {  	[tilespmem:s29+$0xFFFFFFE0] =	vst v26;
	v10 =	vld.idx.msk [tilespmem:v19+s7+$0x0], $0xffff  }
0x28f: {  	v9 =	vld.idx.msk [tilespmem:v22+s9+$0x0], $0xffff  }
0x290: {  	v25 =	vld.idx.msk [tilespmem:v8+s10+$0x0], $0xffff;
	[tilespmem:s29+$0xFFFFFFC0] =	vst v13;
	v13 =	vmul.f32 v16, v11  }
0x291: {  	[tilespmem:s29+$0xFFFFFFD0] =	vst v28;
	v11 =	vld.idx.msk [tilespmem:v21+s9+$0x0], $0xffff  }
0x292: {  	v12 =	vld.idx.msk [tilespmem:v23+s7+$0x0], $0xffff;
	v26 =	vadd.f32 v13, v27  }
0x293: {  	v14 =	vmul.f32 v24, v14;
	v13 =	vld.idx.msk [tilespmem:v18+s9+$0x0], $0xffff  }
0x294: {  	v16 =	vld.idx.msk [tilespmem:v15+s7+$0x0], $0xffff;
	[tilespmem:s2+$0x40] =	vst v26  }
0x295: {  	v14 =	vadd.f32 v14, v20;
	v24 =	vld.idx.msk [tilespmem:v15+s9+$0x0], $0xffff  }
0x296: {  	[tilespmem:s29+$0xFFFFFFB0] =	vst v25;
	v20 =	vld.idx.msk [tilespmem:v19+s9+$0x0], $0xffff  }
.Ltmp11:
0x297: {  	v19 =	vld.idx.msk [tilespmem:v23+s9+$0x0], $0xffff;
	[tilespmem:s2+$0x20] =	vst v14;
	(pc) =	sbr.rel @p2 .LBB2_15-.Ltmp11, $4  }
0x298: {  	v14 =	vld.idx.msk [tilespmem:v8+s9+$0x0], $0xffff  }
0x299: {  	v15 =	vld.idx.msk [tilespmem:v21+s7+$0x0], $0xffff  }
0x29a: {  	v18 =	vld.idx.msk [tilespmem:v18+s7+$0x0], $0xffff  }
0x29b: {  	s29 =	sadd.s32 $0xA0, s29;
	s2 =	sadd.s32 $0xA0, s2;
	v21 =	vmul.f32 v24, v17;
	v17 =	vld.idx.msk [tilespmem:v22+s7+$0x0], $0xffff  }
0x29c: {  	_ =	sdelay $0x1  }
0x29d: {  	v6 =	vmul.f32 v20, v6  }
0x29e: {  	v4 =	vmul.f32 v19, v4;
	v16 =	vadd.f32 v21, v16  }
0x29f: {  	v1 =	vld.idx.msk [tilespmem:v1+s7+$0x0], $0xffff;
	v3 =	vmul.f32 v11, v3;
	v6 =	vadd.f32 v6, v10  }
0x2a0: {  	v2 =	vmul.f32 v13, v2;
	v8 =	vld.idx.msk [tilespmem:v8+s7+$0x0], $0xffff;
	v4 =	vadd.f32 v4, v12;
	[tilespmem:s26+$0xFFFFFFC0] =	vst v16  }
0x2a1: {  	v5 =	vmul.f32 v9, v5;
	v3 =	vadd.f32 v3, v15;
	[tilespmem:s26+$0x0] =	vst v6  }
0x2a2: {  	v2 =	vadd.f32 v2, v18;
	[tilespmem:s26+$0xFFFFFFE0] =	vst v4  }
0x2a3: {  	v0 =	vmul.f32 v14, v0;
	v63 =	vadd.f32 v5, v17;
	[tilespmem:s26+$0xFFFFFFF0] =	vst v3  }
0x2a4: {  	[tilespmem:s26+$0xFFFFFFD0] =	vst v2;
	v1 =	vadd.f32 v7, v1  }
0x2a5: {  	v0 =	vadd.f32 v0, v8;
	[tilespmem:s26+$0x10] =	vst v63  }
0x2a6: {  	s2 =	sadd.s32 $0x7D00, s19;
	[tilespmem:s20+$0x16880] =	vst v1  }
0x2a7: {  	s13 =	sadd.s32 s4, s2;
	[tilespmem:s26+$0xFFFFFFB0] =	vst v0  }
0x2a8: {  	[hbm4b:s13+s10] =	stream.linear.scatter [tilespmem:s18], [sflag:$0x7], $0xFA0, $0x38;
	[tilespmem:$0x18E00] =	vst v63  }
0x2a9: {  	s13 =	sadd.s32 $0x6, s6  }
0x2aa: {  	p2 =	sgt.u32 s13, s12  }
0x2ab: {  	s13 =	sshll.u32 @!p2 s13, $0x5  }
0x2ac: {  	s13 =	sor.u32 @!p2 s11, s13  }
0x2ad: {  	s2 =	sadd.s32 s5, s2;
	s13 =	smul.u32 @!p2 $0x1F4, s13  }
0x2ae: {  	[hbm4b:s2+s10] =	stream.linear.scatter [tilespmem:s8], [sflag:$0x7], $0xFA0, $0x38;
	[tilespmem:$0x18E00] =	vst v63  }
0x2af: {  	s19 =	simm.s32 @!p2 $0x0;
	s20 =	simm.s32 @!p2 $0xA800;
	s2 =	sadd.s32 @!p2 s1, s13  }
0x2b0: {  	[tilespmem:s20], [sflag:$0x3] =	stream.linear.gather @!p2 [hbm4b:s2+s19], $0xFA0, $0x38;
	[tilespmem:$0x18E00] =	vst v63  }
0x2b1: {  	s2 =	sadd.s32 @!p2 s0, s13;
	s13 =	simm.s32 @!p2 $0xE800  }
0x2b2: {  	[tilespmem:s13], [sflag:$0x3] =	stream.linear.gather @!p2 [hbm4b:s2+s19], $0xFA0, $0x38;
	[tilespmem:$0x18E00] =	vst v63  }
0x2b3: {  	s2 =	sor.u32 $0x3, s6  }
0x2b4: {  	p2 =	sgt.u32 s2, s12  }
.Ltmp12:
0x2b5: {  	_ = 	snop;
	(pc) =	sbr.rel @p2 .LBB2_20-.Ltmp12, $1  }
0x2b6: {  	_ =	sdelay $0x3  }
0x2b7: {  	_ =	swait.ge [sflag:s24], $0xFA0  }
0x2b8: {  	[sflag:s24] =	ssyncset.done $0x0  }
0x2b9: {  	[sflag:s24] =	ssyncadd.s32 $0xFFFFF060  }
0x2ba: {  	_ =	swait.ge [sflag:s24], $0xFA0  }
0x2bb: {  	[sflag:s24] =	ssyncset.done $0x0  }
0x2bc: {  	s13 =	simm.s32 @!p1 $0x8;
	[sflag:s24] =	ssyncadd.s32 $0xFFFFF060  }
0x2bd: {  	_ =	swait.ge @!p1 [sflag:s13], $0xFA0  }
0x2be: {  	[sflag:s13] =	ssyncset.done @!p1 $0x0  }
0x2bf: {  	[sflag:s13] =	ssyncadd.s32 @!p1 $0xFFFFF060  }
0x2c0: {  	_ =	swait.ge @!p1 [sflag:s13], $0xFA0  }
0x2c1: {  	s20 =	simm.s32 $0x0;
	[sflag:s13] =	ssyncset.done @!p1 $0x0  }
0x2c2: {  	s19 =	sand.u32 $0xFE0, s20;
	[sflag:s13] =	ssyncadd.s32 @!p1 $0xFFFFF060  }
0x2c3: {  	v1 =	vld [tilespmem:s19+$0xB880]  }
0x2c4: {  	s22 =	simm.s32 $0xF850;
	v7 =	vld [tilespmem:s19+$0xF880]  }
0x2c5: {  	v0 =	vld [tilespmem:s22+$0xFFFFFFB0]  }
0x2c6: {  	v2 =	vld [tilespmem:s22+$0xFFFFFFD0]  }
0x2c7: {  	v17 =	vld [tilespmem:s22+$0xFFFFFFC0]  }
0x2c8: {  	v4 =	vld [tilespmem:s22+$0xFFFFFFE0]  }
0x2c9: {  	v3 =	vld [tilespmem:s22+$0xFFFFFFF0]  }
0x2ca: {  	v6 =	vld [tilespmem:s22+$0x0]  }
0x2cb: {  	v5 =	vld [tilespmem:s22+$0x10]  }
0x2cc: {  	v14 =	vld [tilespmem:s22+$0x20]  }
0x2cd: {  	s23 =	simm.s32 $0xB850;
	v15 =	vld [tilespmem:s22+$0x40]  }
0x2ce: {  	v18 =	vld [tilespmem:s23+$0xFFFFFFD0]  }
0x2cf: {  	v19 =	vld [tilespmem:s23+$0xFFFFFFC0]  }
0x2d0: {  	v9 =	vld [tilespmem:s23+$0x40]  }
0x2d1: {  	v10 =	vld [tilespmem:s23+$0x20]  }
0x2d2: {  	v22 =	vld [tilespmem:s23+$0x10]  }
0x2d3: {  	v20 =	vld [tilespmem:s23+$0x0]  }
0x2d4: {  	v23 =	vld [tilespmem:s23+$0xFFFFFFF0]  }
0x2d5: {  	v24 =	vld [tilespmem:s23+$0xFFFFFFE0]  }
0x2d6: {  	v8 =	vld.idx.msk [tilespmem:v1+s10+$0x0], $0xffff  }
0x2d7: {  	v13 =	vld.idx.msk [tilespmem:v19+s10+$0x0], $0xffff  }
0x2d8: {  	v11 =	vld.idx.msk [tilespmem:v9+s10+$0x0], $0xffff  }
0x2d9: {  	v12 =	vld.idx.msk [tilespmem:v10+s10+$0x0], $0xffff  }
0x2da: {  	v16 =	vld.idx.msk [tilespmem:v22+s10+$0x0], $0xffff  }
0x2db: {  	v25 =	vld.idx.msk [tilespmem:v20+s10+$0x0], $0xffff  }
0x2dc: {  	v26 =	vld.idx.msk [tilespmem:v23+s10+$0x0], $0xffff  }
0x2dd: {  	v27 =	vld.idx.msk [tilespmem:v24+s10+$0x0], $0xffff  }
0x2de: {  	s31 =	simm.s32 $0x13850;
	[tilespmem:s19+$0x13880] =	vst v8;
	v8 =	vld [tilespmem:s23+$0xFFFFFFB0]  }
0x2df: {  	[tilespmem:s31+$0x20] =	vst v12;
	v12 =	vld.idx.msk [tilespmem:v18+s10+$0x0], $0xffff  }
0x2e0: {  	[tilespmem:s31+$0x40] =	vst v11;
	v21 =	vld.idx.msk [tilespmem:v1+s9+$0x0], $0xffff  }
0x2e1: {  	v28 =	vld.idx.msk [tilespmem:v9+s7+$0x0], $0xffff  }
0x2e2: {  	v29 =	vld.idx.msk [tilespmem:v9+s9+$0x0], $0xffff  }
0x2e3: {  	v30 =	vld.idx.msk [tilespmem:v10+s7+$0x0], $0xffff  }
0x2e4: {  	[tilespmem:s31+$0x0] =	vst v25;
	v60 =	vld.idx.msk [tilespmem:v10+s9+$0x0], $0xffff  }
0x2e5: {  	[tilespmem:s31+$0x10] =	vst v16;
	v10 =	vld.idx.msk [tilespmem:v20+s7+$0x0], $0xffff  }
0x2e6: {  	[tilespmem:s31+$0xFFFFFFF0] =	vst v26;
	v9 =	vld.idx.msk [tilespmem:v22+s9+$0x0], $0xffff  }
0x2e7: {  	[tilespmem:s31+$0xFFFFFFC0] =	vst v13;
	v11 =	vld.idx.msk [tilespmem:v23+s9+$0x0], $0xffff  }
0x2e8: {  	v16 =	vld.idx.msk [tilespmem:v19+s7+$0x0], $0xffff  }
0x2e9: {  	v62 =	vld.idx.msk [tilespmem:v19+s9+$0x0], $0xffff  }
0x2ea: {  	[tilespmem:s31+$0xFFFFFFE0] =	vst v27;
	v20 =	vld.idx.msk [tilespmem:v20+s9+$0x0], $0xffff  }
0x2eb: {  	v19 =	vld.idx.msk [tilespmem:v24+s9+$0x0], $0xffff  }
0x2ec: {  	v15 =	vmul.f32 v29, v15;
	v61 =	vld.idx.msk [tilespmem:v8+s10+$0x0], $0xffff  }
0x2ed: {  	[tilespmem:s31+$0xFFFFFFD0] =	vst v12;
	v12 =	vld.idx.msk [tilespmem:v24+s7+$0x0], $0xffff  }
0x2ee: {  	v13 =	vld.idx.msk [tilespmem:v18+s9+$0x0], $0xffff;
	v25 =	vmul.f32 v60, v14;
	v63 =	vadd.f32 v15, v28  }
0x2ef: {  	s25 =	simm.s32 $0x17850;
	v18 =	vld.idx.msk [tilespmem:v18+s7+$0x0], $0xffff;
	v7 =	vmul.f32 v21, v7  }
0x2f0: {  	v21 =	vmul.f32 v62, v17;
	v17 =	vld.idx.msk [tilespmem:v22+s7+$0x0], $0xffff;
	v25 =	vadd.f32 v25, v30;
	[tilespmem:s25+$0x40] =	vst v63  }
0x2f1: {  	s2 =	sshll.u32 s2, $0x5;
	v15 =	vld.idx.msk [tilespmem:v23+s7+$0x0], $0xffff;
	[tilespmem:s31+$0xFFFFFFB0] =	vst v61  }
0x2f2: {  	s29 =	simm.s32 $0x138F0;
	s26 =	sor.u32 s11, s2;
	s2 =	simm.s32 $0x178F0;
	[tilespmem:s25+$0x20] =	vst v25;
	v14 =	vld.idx.msk [tilespmem:v8+s9+$0x0], $0xffff  }
.LBB2_18:
0x2f3: {  	s20 =	sadd.s32 $0xA0, s20;
	v8 =	vld.idx.msk [tilespmem:v8+s7+$0x0], $0xffff;
	v6 =	vmul.f32 v20, v6;
	s23 =	sadd.s32 $0xA0, s23;
	s22 =	sadd.s32 $0xA0, s22  }
0x2f4: {  	v4 =	vmul.f32 v19, v4;
	s13 =	sand.u32 $0xFE0, s20;
	p1 =	slt.u32 s20, $0xF00;
	v16 =	vadd.f32 v21, v16;
	v19 =	vld.idx.msk [tilespmem:v1+s7+$0x0], $0xffff  }
0x2f5: {  	v2 =	vmul.f32 v13, v2;
	v3 =	vmul.f32 v11, v3;
	v1 =	vld [tilespmem:s13+$0xB880];
	v6 =	vadd.f32 v6, v10  }
0x2f6: {  	v5 =	vmul.f32 v9, v5;
	v4 =	vadd.f32 v4, v12;
	v10 =	vld [tilespmem:s13+$0xF880];
	[tilespmem:s25+$0xFFFFFFC0] =	vst v16  }
0x2f7: {  	v9 =	vmul.f32 v14, v0;
	v12 =	vadd.f32 v3, v15;
	v11 =	vadd.f32 v2, v18;
	v0 =	vld [tilespmem:s22+$0xFFFFFFB0];
	[tilespmem:s25+$0x0] =	vst v6  }
0x2f8: {  	v3 =	vadd.f32 v5, v17;
	v2 =	vld [tilespmem:s22+$0xFFFFFFD0];
	[tilespmem:s25+$0xFFFFFFE0] =	vst v4  }
0x2f9: {  	v5 =	vadd.f32 v9, v8;
	v17 =	vld [tilespmem:s22+$0xFFFFFFC0];
	[tilespmem:s25+$0xFFFFFFD0] =	vst v11  }
0x2fa: {  	v7 =	vadd.f32 v7, v19;
	v4 =	vld [tilespmem:s22+$0xFFFFFFE0];
	[tilespmem:s25+$0x10] =	vst v3  }
0x2fb: {  	v3 =	vld [tilespmem:s22+$0xFFFFFFF0];
	[tilespmem:s25+$0xFFFFFFF0] =	vst v12  }
0x2fc: {  	v6 =	vld [tilespmem:s22+$0x0];
	[tilespmem:s19+$0x17880] =	vst v7;
	s19 =	smov.u32 s13  }
0x2fd: {  	v7 =	vld.idx.msk [tilespmem:v1+s10+$0x0], $0xffff;
	[tilespmem:s25+$0xFFFFFFB0] =	vst v5;
	s25 =	smov.u32 s2  }
0x2fe: {  	v5 =	vld [tilespmem:s22+$0x10]  }
0x2ff: {  	v14 =	vld [tilespmem:s22+$0x20]  }
0x300: {  	v11 =	vld [tilespmem:s22+$0x40]  }
0x301: {  	v18 =	vld [tilespmem:s23+$0xFFFFFFD0]  }
0x302: {  	v15 =	vld [tilespmem:s23+$0xFFFFFFC0]  }
0x303: {  	[tilespmem:s19+$0x13880] =	vst v7;
	v9 =	vld [tilespmem:s23+$0x40]  }
0x304: {  	v7 =	vld.idx.msk [tilespmem:v1+s9+$0x0], $0xffff  }
0x305: {  	v12 =	vld [tilespmem:s23+$0x20]  }
0x306: {  	v22 =	vld [tilespmem:s23+$0x10]  }
0x307: {  	v19 =	vld [tilespmem:s23+$0x0]  }
0x308: {  	v21 =	vld [tilespmem:s23+$0xFFFFFFF0]  }
0x309: {  	v23 =	vld [tilespmem:s23+$0xFFFFFFE0]  }
0x30a: {  	v7 =	vmul.f32 v7, v10;
	v13 =	vld.idx.msk [tilespmem:v15+s10+$0x0], $0xffff  }
0x30b: {  	v10 =	vld.idx.msk [tilespmem:v9+s10+$0x0], $0xffff  }
0x30c: {  	v8 =	vld [tilespmem:s23+$0xFFFFFFB0]  }
0x30d: {  	v16 =	vld.idx.msk [tilespmem:v12+s10+$0x0], $0xffff  }
0x30e: {  	v20 =	vld.idx.msk [tilespmem:v22+s10+$0x0], $0xffff  }
0x30f: {  	v24 =	vld.idx.msk [tilespmem:v19+s10+$0x0], $0xffff  }
0x310: {  	v25 =	vld.idx.msk [tilespmem:v21+s10+$0x0], $0xffff  }
0x311: {  	v26 =	vld.idx.msk [tilespmem:v23+s10+$0x0], $0xffff;
	[tilespmem:s29+$0x40] =	vst v10  }
0x312: {  	v27 =	vld.idx.msk [tilespmem:v9+s7+$0x0], $0xffff  }
0x313: {  	[tilespmem:s29+$0x20] =	vst v16;
	v16 =	vld.idx.msk [tilespmem:v9+s9+$0x0], $0xffff  }
0x314: {  	v28 =	vld.idx.msk [tilespmem:v18+s10+$0x0], $0xffff;
	[tilespmem:s29+$0x10] =	vst v20  }
0x315: {  	[tilespmem:s29+$0x0] =	vst v24;
	v20 =	vld.idx.msk [tilespmem:v12+s7+$0x0], $0xffff  }
0x316: {  	[tilespmem:s29+$0xFFFFFFF0] =	vst v25;
	v24 =	vld.idx.msk [tilespmem:v12+s9+$0x0], $0xffff  }
0x317: {  	[tilespmem:s29+$0xFFFFFFE0] =	vst v26;
	v10 =	vld.idx.msk [tilespmem:v19+s7+$0x0], $0xffff  }
0x318: {  	v9 =	vld.idx.msk [tilespmem:v22+s9+$0x0], $0xffff  }
0x319: {  	v25 =	vld.idx.msk [tilespmem:v8+s10+$0x0], $0xffff;
	[tilespmem:s29+$0xFFFFFFC0] =	vst v13;
	v13 =	vmul.f32 v16, v11  }
0x31a: {  	[tilespmem:s29+$0xFFFFFFD0] =	vst v28;
	v11 =	vld.idx.msk [tilespmem:v21+s9+$0x0], $0xffff  }
0x31b: {  	v12 =	vld.idx.msk [tilespmem:v23+s7+$0x0], $0xffff;
	v26 =	vadd.f32 v13, v27  }
0x31c: {  	v14 =	vmul.f32 v24, v14;
	v13 =	vld.idx.msk [tilespmem:v18+s9+$0x0], $0xffff  }
0x31d: {  	v16 =	vld.idx.msk [tilespmem:v15+s7+$0x0], $0xffff;
	[tilespmem:s2+$0x40] =	vst v26  }
0x31e: {  	v14 =	vadd.f32 v14, v20;
	v24 =	vld.idx.msk [tilespmem:v15+s9+$0x0], $0xffff  }
0x31f: {  	[tilespmem:s29+$0xFFFFFFB0] =	vst v25;
	v20 =	vld.idx.msk [tilespmem:v19+s9+$0x0], $0xffff  }
.Ltmp13:
0x320: {  	v19 =	vld.idx.msk [tilespmem:v23+s9+$0x0], $0xffff;
	[tilespmem:s2+$0x20] =	vst v14;
	(pc) =	sbr.rel @p1 .LBB2_18-.Ltmp13, $4  }
0x321: {  	v14 =	vld.idx.msk [tilespmem:v8+s9+$0x0], $0xffff  }
0x322: {  	v15 =	vld.idx.msk [tilespmem:v21+s7+$0x0], $0xffff  }
0x323: {  	v18 =	vld.idx.msk [tilespmem:v18+s7+$0x0], $0xffff  }
0x324: {  	s29 =	sadd.s32 $0xA0, s29;
	s2 =	sadd.s32 $0xA0, s2;
	v21 =	vmul.f32 v24, v17;
	v17 =	vld.idx.msk [tilespmem:v22+s7+$0x0], $0xffff  }
0x325: {  	_ =	sdelay $0x1  }
0x326: {  	v6 =	vmul.f32 v20, v6  }
0x327: {  	v4 =	vmul.f32 v19, v4;
	v16 =	vadd.f32 v21, v16  }
0x328: {  	v1 =	vld.idx.msk [tilespmem:v1+s7+$0x0], $0xffff;
	v3 =	vmul.f32 v11, v3;
	v6 =	vadd.f32 v6, v10  }
0x329: {  	v2 =	vmul.f32 v13, v2;
	v8 =	vld.idx.msk [tilespmem:v8+s7+$0x0], $0xffff;
	v4 =	vadd.f32 v4, v12;
	[tilespmem:s25+$0xFFFFFFC0] =	vst v16  }
0x32a: {  	v5 =	vmul.f32 v9, v5;
	v3 =	vadd.f32 v3, v15;
	[tilespmem:s25+$0x0] =	vst v6  }
0x32b: {  	v2 =	vadd.f32 v2, v18;
	[tilespmem:s25+$0xFFFFFFE0] =	vst v4  }
0x32c: {  	v0 =	vmul.f32 v14, v0;
	v63 =	vadd.f32 v5, v17;
	[tilespmem:s25+$0xFFFFFFF0] =	vst v3  }
0x32d: {  	s6 =	sadd.s32 $0x7, s6;
	[tilespmem:s25+$0xFFFFFFD0] =	vst v2;
	v1 =	vadd.f32 v7, v1  }
0x32e: {  	s2 =	smul.u32 $0x1F4, s26;
	p1 =	sgt.u32 s6, s12;
	v0 =	vadd.f32 v0, v8;
	[tilespmem:s25+$0x10] =	vst v63  }
0x32f: {  	s6 =	sshll.u32 @!p1 s6, $0x5;
	[tilespmem:s19+$0x17880] =	vst v1  }
0x330: {  	s29 =	simm.s32 $0x13800;
	s13 =	sadd.s32 s4, s2;
	s6 =	sor.u32 @!p1 s11, s6;
	[tilespmem:s25+$0xFFFFFFB0] =	vst v0  }
0x331: {  	[hbm4b:s13+s10] =	stream.linear.scatter [tilespmem:s29], [sflag:$0x8], $0xFA0, $0x38;
	[tilespmem:$0x18E00] =	vst v63  }
0x332: {  	s31 =	simm.s32 $0x17800;
	s2 =	sadd.s32 s5, s2;
	s6 =	smul.u32 @!p1 $0x1F4, s6  }
0x333: {  	[hbm4b:s2+s10] =	stream.linear.scatter [tilespmem:s31], [sflag:$0x8], $0xFA0, $0x38;
	[tilespmem:$0x18E00] =	vst v63  }
.Ltmp14:
0x334: {  	_ = 	snop;
	(pc) =	sbr.rel .LBB2_20-.Ltmp14, $4  }
0x335: {  	s19 =	simm.s32 @!p1 $0xB800;
	s13 =	simm.s32 @!p1 $0x0;
	s2 =	sadd.s32 @!p1 s1, s6  }
0x336: {  	[tilespmem:s19], [sflag:$0x4] =	stream.linear.gather @!p1 [hbm4b:s2+s13], $0xFA0, $0x38;
	[tilespmem:$0x18E00] =	vst v63  }
0x337: {  	s2 =	sadd.s32 @!p1 s0, s6;
	s6 =	simm.s32 @!p1 $0xF800  }
0x338: {  	[tilespmem:s6], [sflag:$0x4] =	stream.linear.gather @!p1 [hbm4b:s2+s13], $0xFA0, $0x38;
	[tilespmem:$0x18E00] =	vst v63  }
.LBB2_22:
0x339: {  	_ =	sfence.sel $0x180000  }
0x33a: {  	[bflag:$0x0] =	sbarrier.arrive $0xFFFF  }
0x33b: {  	_ =	strace $0x90000047  }
0x33c: {  	s0 =	stileid.u32;
	[bflag:$0x2] =	sbarrier.arrive $0xFFFF  }
0x33d: {  	p0 =	sne.s32 s0, $0x0;
	s0 =	rddreg [dreg:$0xa]  }
0x33e: {  	s0 =	sadd.s32 @!p0 $0x100000, s0  }
0x33f: {  	[sflag:s0] =	ssyncadd.tile.s32 @!p0 $0x1;
	_ =	shalt  }
.Lfunc_end2:
_tile_overlayer_lowered:
.L_overlay_start_2:
0x340: {  	(tag) =	ssettag $0x2  }
0x341: {  	s0 =	rddreg [dreg:$0x0];
	s2 =	stileid.u32  }
0x342: {  	s1 =	rddreg [dreg:$0x1];
	p0 =	sne.s32 s2, $0x0  }
0x343: {  	s3 =	rddreg [dreg:$0x2];
	[bflag:$0x3] =	sbarrier.arrive $0xFFFF;
	s2 =	simm.s32 @!p0 $0x1C09  }
0x344: {  	[timem:s3], [sflag:s2] =	dma.local @!p0 [hbm:s0], s1  }
0x345: {  	s0 =	simm.s32 @!p0 $0x9  }
0x346: {  	_ =	swait.ge @!p0 [sflag:s0], s1  }
0x347: {  	s1 =	ssub.s32 @!p0 $0x0, s1;
	[sflag:s0] =	ssyncset.done @!p0 $0x0  }
0x348: {  	[sflag:s0] =	ssyncadd.s32 @!p0 s1  }
0x349: {  	[bflag:$0x3] =	sbarrier.arrive $0xFFFF  }
0x34a: {  	_ =	shalt  }

</sc_bundles>
